<compile_context>
chip_gen: v7x
topology: tpu7x:2x2x1
jax: 0.10.2.dev20260603
libtpu: 0.0.44.dev20260713+nightly
codegen_flags: <defaults>
</compile_context>

<pallas_src>
import jax
import jax.numpy as jnp
from jax import lax
from jax.experimental import pallas as pl
from jax.experimental.pallas import tpu as pltpu
from jax.experimental.pallas import tpu_sc as plsc

_B = 8192
_D = 64
_NW = 32
_RPW = _B // _NW
_NG = _RPW // 16
_NCH = _RPW // 128
_MAGIC = 0x5A510000
_HMASK = -65536
_LMASK = 0xFFFF


def _fifo_body(vals_hbm, out_hbm, cnts_hbm, rows_v, flags_v, idx_v, cnt_v,
               call_v, out_sem):
    cid = lax.axis_index("c")
    sid = lax.axis_index("s")
    w = sid * 2 + cid
    base = w * _RPW
    lanes = lax.iota(jnp.int32, 16)

    pltpu.sync_copy(vals_hbm.at[pl.ds(base, _RPW)], rows_v)

    def g_body(g, nval_vec):
        rid = g * 16 + lanes
        acc = jnp.zeros((16,), jnp.int32)
        for c in range(_D):
            col = jnp.full((16,), c, jnp.int32)
            bits = plsc.bitcast(plsc.load_gather(rows_v, [rid, col]), jnp.int32)
            acc = jnp.maximum(acc, bits & jnp.int32(0x7FFFFFFF))
        badv = acc > jnp.int32(0x7F800000)
        flags_v[pl.ds(g * 16, 16)] = jnp.where(badv, 1, 0).astype(jnp.int32)
        nbad = plsc.all_reduce_population_count(badv)
        return nval_vec + (16 - nbad)

    nval_vec = lax.fori_loop(0, _NG, g_body, jnp.zeros((16,), jnp.int32))
    nval = jnp.max(nval_vec)

    cnt_v[...] = nval_vec + jnp.int32(_MAGIC)
    pltpu.sync_copy(cnt_v, cnts_hbm.at[w])

    @pl.when(nval < _RPW)
    def _():
        nanv = jnp.full((16,), jnp.nan, jnp.float32)

        def g2(g, tok):
            rid = g * 16 + lanes
            badm = flags_v[pl.ds(g * 16, 16)] > 0

            def c2(c, tok2):
                col = jnp.zeros((16,), jnp.int32) + c
                plsc.store_scatter(rows_v, [rid, col], nanv, mask=badm)
                return tok2

            return lax.fori_loop(0, _D, c2, tok)

        lax.fori_loop(0, _NG, g2, jnp.int32(0))

    zero16 = jnp.zeros((16,), jnp.int32)

    def poll_cond(state):
        ready, _, _ = state
        return ready == 0

    def poll_body(state):
        _, _, _ = state
        pltpu.sync_copy(cnts_hbm, call_v)
        e0 = plsc.load_gather(call_v, [lanes, zero16])
        e1 = plsc.load_gather(call_v, [lanes + 16, zero16])
        ok0 = jnp.where((e0 & jnp.int32(_HMASK)) == jnp.int32(_MAGIC), 1, 0)
        ok1 = jnp.where((e1 & jnp.int32(_HMASK)) == jnp.int32(_MAGIC), 1, 0)
        ready = jnp.min(jnp.minimum(ok0, ok1))
        return ready, e0, e1

    _, e0, e1 = lax.while_loop(
        poll_cond, poll_body, (jnp.int32(0), zero16, zero16)
    )
    counts0 = e0 & jnp.int32(_LMASK)
    counts1 = e1 & jnp.int32(_LMASK)
    k_total = jnp.sum(counts0) + jnp.sum(counts1)
    vb0 = jnp.sum(jnp.where(lanes < jnp.minimum(w, 16), counts0, 0))
    vb1 = jnp.sum(jnp.where(lanes + 16 < w, counts1, 0))
    val_base = vb0 + vb1
    inv_base = k_total + (base - val_base)

    def d_body(g, nv_vec):
        fl = flags_v[pl.ds(g * 16, 16)]
        good = 1 - fl
        ev = plsc.cumsum(good) - good + nv_vec
        il = g * 16 + lanes
        dest = jnp.where(fl > 0, inv_base + (il - ev), val_base + ev)
        dest = jnp.clip(dest, 0, _B - 1)
        idx_v[g // 8, pl.ds((g % 8) * 16, 16)] = dest
        return nv_vec + plsc.all_reduce_population_count(good > 0)

    lax.fori_loop(0, _NG, d_body, jnp.zeros((16,), jnp.int32))

    copies = [
        pltpu.async_copy(
            rows_v.at[pl.ds(h * 128, 128)], out_hbm.at[idx_v.at[h]], out_sem
        )
        for h in range(_NCH)
    ]
    for cp in copies:
        cp.wait()


@jax.jit
def kernel(vals, buffer):
    del buffer
    mesh = plsc.VectorSubcoreMesh(
        core_axis_name="c", subcore_axis_name="s", num_cores=2
    )
    run = pl.kernel(
        _fifo_body,
        out_type=(
            jax.ShapeDtypeStruct((_B, _D), jnp.float32),
            jax.ShapeDtypeStruct((_NW, 16), jnp.int32),
        ),
        mesh=mesh,
        scratch_types=[
            pltpu.VMEM((_RPW, _D), jnp.float32),
            pltpu.VMEM((_RPW,), jnp.int32),
            pltpu.VMEM((_NCH, 128), jnp.int32),
            pltpu.VMEM((16,), jnp.int32),
            pltpu.VMEM((_NW, 16), jnp.int32),
            pltpu.SemaphoreType.DMA,
        ],
        compiler_params=pltpu.CompilerParams(
            needs_layout_passes=False, use_tc_tiling_on_sc=False
        ),
    )
    out, _ = run(vals)
    return out

# --- scband reference (transcript-rebuilt; emitter-appended) ---
"""Pipeline reference for scband-fifo-7842610283507 (READ-ONLY COPY).

The authoritative reference and input builder live on the scoring server;
editing this copy changes nothing except your own understanding.
"""

import jax, jax.numpy as jnp
import numpy as np

CAPACITY = 131072
DIMS = 64
BATCH = 8192


def setup_inputs(seed: int = 0) -> dict:
    key = jax.random.key(seed)
    vals = jax.random.normal(key, (BATCH, DIMS), dtype=jnp.float32)
    # FIFO state buffer per circfifo.init: zeros buffer padded with one nan row
    buffer = jnp.full((CAPACITY, DIMS), 0.0, dtype=jnp.float32)
    buffer = jnp.pad(buffer, ((0, 1), (0, 0)), constant_values=jnp.nan)
    return {"vals": vals, "buffer": buffer}


def reference(vals, buffer):
    # Faithful translation of circfifo enqueue/dequeue semantics.
    n = buffer.shape[0] - 1  # usable slots (last row is nan sentinel)
    front = jnp.array(-1, dtype=jnp.int32)
    rear = jnp.array(-1, dtype=jnp.int32)

    def enq_step(state, x):
        B, p, q = state
        def do_enq(_):
            p2 = jnp.where(p == -1, jnp.array(0, p.dtype), p)
            q2 = (q + 1) % n
            B2 = B.at[q2].set(x)  # scatter-overwrite (in-place under jit)
            return (B2, p2, q2)
        def skip(_):
            return (B, p, q)
        new_state = jax.lax.cond(jnp.isnan(x).any(), skip, do_enq, None)
        return new_state, None

    state = (buffer, front, rear)
    state, _ = jax.lax.scan(enq_step, state, vals)

    def deq_step(state, _):
        B, p, q = state
        y = B[p]  # gather
        def reset(_):
            return (jnp.array(-1, p.dtype), jnp.array(-1, q.dtype))
        def advance(_):
            return ((p + 1) % n, q)
        p2, q2 = jax.lax.cond(p == q, reset, advance, None)
        return (B, p2, q2), y

    state, ys = jax.lax.scan(deq_step, state, None, length=vals.shape[0])
    return ys

if __name__ == "__main__":
    import jax
    _d = setup_inputs()
    print(jax.jit(kernel)(*tuple(_d.values())))

</pallas_src>

<mosaic_0001>
#map = affine_map<(d0, d1) -> (0, 0)>
module attributes {stable_mosaic.version = 14 : i64} {
  func.func @_fifo_body(%arg0: i32, %arg1: i32, %arg2: memref<8192x64xf32, #tpu.memory_space<hbm>>, %arg3: memref<8192x64xf32, #tpu.memory_space<hbm>>, %arg4: memref<32x16xi32, #tpu.memory_space<hbm>>, %arg5: memref<256x64xf32, #tpu.memory_space<vmem>>, %arg6: memref<256xi32, #tpu.memory_space<vmem>>, %arg7: memref<2x128xi32, #tpu.memory_space<vmem>>, %arg8: memref<16xi32, #tpu.memory_space<vmem>>, %arg9: memref<32x16xi32, #tpu.memory_space<vmem>>, %arg10: memref<!tpu.dma_semaphore, #tpu.memory_space<semaphore_mem>>) attributes {dimension_semantics = [#tpu.dimension_semantics<core_parallel>, #tpu.dimension_semantics<subcore_parallel>], iteration_bounds = array<i64: 2, 16>, scalar_prefetch = 0 : i64, scratch_operands = 6 : i64, tpu.core_type = #tpu.core_type<sc_vector_subcore>, window_params = [{transform_indices = #map}, {transform_indices = #map}, {transform_indices = #map}]} {
    %mul3A = arith.constant 2 : i32
    %mul3A_0 = arith.muli %arg1, %mul3A : i32
    %add3A = arith.addi %mul3A_0, %arg0 : i32
    %mul3A_1 = arith.constant 256 : i32
    %mul3A_2 = arith.muli %add3A, %mul3A_1 : i32
    %iota3A = tpu.iota {dimensions = array<i32: 0>} : vector<16xi32>
    "tpu.region"() ({
      %run_scoped3A = tpu.sem_alloc : memref<!tpu.dma_semaphore, #tpu.memory_space<semaphore_mem>>
      %dma_start3A_106 = arith.constant 0 : i32
      %dma_start3A_107 = tpu.memref_slice %arg2[%mul3A_2, %dma_start3A_106] : memref<8192x64xf32, #tpu.memory_space<hbm>> -> memref<256x64xf32, #tpu.memory_space<hbm>>
      %dma_start3A_108 = arith.constant 0 : i32
      %dma_start3A_109 = tpu.memref_slice %arg2[%mul3A_2, %dma_start3A_108] : memref<8192x64xf32, #tpu.memory_space<hbm>> -> memref<256x64xf32, #tpu.memory_space<hbm>>
      tpu.enqueue_dma source(%dma_start3A_109 : memref<256x64xf32, #tpu.memory_space<hbm>>) target(%arg5 : memref<256x64xf32, #tpu.memory_space<vmem>>) target_semaphore(%run_scoped3A : memref<!tpu.dma_semaphore, #tpu.memory_space<semaphore_mem>>)
      %dma_wait3A_110 = arith.constant 0 : i32
      %dma_wait3A_111 = tpu.memref_slice %arg2[%mul3A_2, %dma_wait3A_110] : memref<8192x64xf32, #tpu.memory_space<hbm>> -> memref<256x64xf32, #tpu.memory_space<hbm>>
      %dma_wait3A_112 = arith.constant 0 : i32
      %dma_wait3A_113 = tpu.memref_slice %arg2[%mul3A_2, %dma_wait3A_112] : memref<8192x64xf32, #tpu.memory_space<hbm>> -> memref<256x64xf32, #tpu.memory_space<hbm>>
      tpu.wait_dma2 semaphore(%run_scoped3A : memref<!tpu.dma_semaphore, #tpu.memory_space<semaphore_mem>>) src(%dma_wait3A_113 : memref<256x64xf32, #tpu.memory_space<hbm>>) dst(%arg5 : memref<256x64xf32, #tpu.memory_space<vmem>>)
      tpu.yield
    }) : () -> ()
    %broadcast_in_dim3A = arith.constant 0 : i32
    %broadcast_in_dim3A_3 = vector.broadcast %broadcast_in_dim3A : i32 to vector<16xi32>
    %scan3A = arith.constant 0 : i32
    %scan3A_4 = arith.constant 16 : i32
    %scan3A_5 = arith.addi %scan3A, %scan3A_4 : i32
    %scan3A_6 = arith.constant 1 : i32
    %scan3A_7 = scf.for %scan3A_106 = %scan3A to %scan3A_5 step %scan3A_6 iter_args(%scan3A_107 = %broadcast_in_dim3A_3) -> (vector<16xi32>)  : i32 {
      %mul3A_108 = arith.constant 16 : i32
      %mul3A_109 = arith.muli %scan3A_106, %mul3A_108 : i32
      %add3A_110 = vector.broadcast %mul3A_109 : i32 to vector<16xi32>
      %add3A_111 = arith.addi %add3A_110, %iota3A : vector<16xi32>
      %broadcast_in_dim3A_112 = arith.constant 0 : i32
      %broadcast_in_dim3A_113 = vector.broadcast %broadcast_in_dim3A_112 : i32 to vector<16xi32>
      %broadcast_in_dim3A_114 = arith.constant 0 : i32
      %broadcast_in_dim3A_115 = vector.broadcast %broadcast_in_dim3A_114 : i32 to vector<16xi32>
      %gather3A = tpu.vector_load_idx %arg5[%add3A_111, %broadcast_in_dim3A_115] : memref<256x64xf32, #tpu.memory_space<vmem>>[vector<16xi32>, vector<16xi32>], vector<16xf32>,
      %bitcast3A = vector.bitcast %gather3A : vector<16xf32> to vector<16xi32>
      %and3A_116 = arith.constant 2147483647 : i32
      %and3A_117 = vector.broadcast %and3A_116 : i32 to vector<16xi32>
      %and3A_118 = arith.andi %bitcast3A, %and3A_117 : vector<16xi32>
      %max3A = arith.maxsi %broadcast_in_dim3A_113, %and3A_118 : vector<16xi32>
      %broadcast_in_dim3A_119 = arith.constant 1 : i32
      %broadcast_in_dim3A_120 = vector.broadcast %broadcast_in_dim3A_119 : i32 to vector<16xi32>
      %gather3A_121 = tpu.vector_load_idx %arg5[%add3A_111, %broadcast_in_dim3A_120] : memref<256x64xf32, #tpu.memory_space<vmem>>[vector<16xi32>, vector<16xi32>], vector<16xf32>,
      %bitcast3A_122 = vector.bitcast %gather3A_121 : vector<16xf32> to vector<16xi32>
      %and3A_123 = arith.constant 2147483647 : i32
      %and3A_124 = vector.broadcast %and3A_123 : i32 to vector<16xi32>
      %and3A_125 = arith.andi %bitcast3A_122, %and3A_124 : vector<16xi32>
      %max3A_126 = arith.maxsi %max3A, %and3A_125 : vector<16xi32>
      %broadcast_in_dim3A_127 = arith.constant 2 : i32
      %broadcast_in_dim3A_128 = vector.broadcast %broadcast_in_dim3A_127 : i32 to vector<16xi32>
      %gather3A_129 = tpu.vector_load_idx %arg5[%add3A_111, %broadcast_in_dim3A_128] : memref<256x64xf32, #tpu.memory_space<vmem>>[vector<16xi32>, vector<16xi32>], vector<16xf32>,
      %bitcast3A_130 = vector.bitcast %gather3A_129 : vector<16xf32> to vector<16xi32>
      %and3A_131 = arith.constant 2147483647 : i32
      %and3A_132 = vector.broadcast %and3A_131 : i32 to vector<16xi32>
      %and3A_133 = arith.andi %bitcast3A_130, %and3A_132 : vector<16xi32>
      %max3A_134 = arith.maxsi %max3A_126, %and3A_133 : vector<16xi32>
      %broadcast_in_dim3A_135 = arith.constant 3 : i32
      %broadcast_in_dim3A_136 = vector.broadcast %broadcast_in_dim3A_135 : i32 to vector<16xi32>
      %gather3A_137 = tpu.vector_load_idx %arg5[%add3A_111, %broadcast_in_dim3A_136] : memref<256x64xf32, #tpu.memory_space<vmem>>[vector<16xi32>, vector<16xi32>], vector<16xf32>,
      %bitcast3A_138 = vector.bitcast %gather3A_137 : vector<16xf32> to vector<16xi32>
      %and3A_139 = arith.constant 2147483647 : i32
      %and3A_140 = vector.broadcast %and3A_139 : i32 to vector<16xi32>
      %and3A_141 = arith.andi %bitcast3A_138, %and3A_140 : vector<16xi32>
      %max3A_142 = arith.maxsi %max3A_134, %and3A_141 : vector<16xi32>
      %broadcast_in_dim3A_143 = arith.constant 4 : i32
      %broadcast_in_dim3A_144 = vector.broadcast %broadcast_in_dim3A_143 : i32 to vector<16xi32>
      %gather3A_145 = tpu.vector_load_idx %arg5[%add3A_111, %broadcast_in_dim3A_144] : memref<256x64xf32, #tpu.memory_space<vmem>>[vector<16xi32>, vector<16xi32>], vector<16xf32>,
      %bitcast3A_146 = vector.bitcast %gather3A_145 : vector<16xf32> to vector<16xi32>
      %and3A_147 = arith.constant 2147483647 : i32
      %and3A_148 = vector.broadcast %and3A_147 : i32 to vector<16xi32>
      %and3A_149 = arith.andi %bitcast3A_146, %and3A_148 : vector<16xi32>
      %max3A_150 = arith.maxsi %max3A_142, %and3A_149 : vector<16xi32>
      %broadcast_in_dim3A_151 = arith.constant 5 : i32
      %broadcast_in_dim3A_152 = vector.broadcast %broadcast_in_dim3A_151 : i32 to vector<16xi32>
      %gather3A_153 = tpu.vector_load_idx %arg5[%add3A_111, %broadcast_in_dim3A_152] : memref<256x64xf32, #tpu.memory_space<vmem>>[vector<16xi32>, vector<16xi32>], vector<16xf32>,
      %bitcast3A_154 = vector.bitcast %gather3A_153 : vector<16xf32> to vector<16xi32>
      %and3A_155 = arith.constant 2147483647 : i32
      %and3A_156 = vector.broadcast %and3A_155 : i32 to vector<16xi32>
      %and3A_157 = arith.andi %bitcast3A_154, %and3A_156 : vector<16xi32>
      %max3A_158 = arith.maxsi %max3A_150, %and3A_157 : vector<16xi32>
      %broadcast_in_dim3A_159 = arith.constant 6 : i32
      %broadcast_in_dim3A_160 = vector.broadcast %broadcast_in_dim3A_159 : i32 to vector<16xi32>
      %gather3A_161 = tpu.vector_load_idx %arg5[%add3A_111, %broadcast_in_dim3A_160] : memref<256x64xf32, #tpu.memory_space<vmem>>[vector<16xi32>, vector<16xi32>], vector<16xf32>,
      %bitcast3A_162 = vector.bitcast %gather3A_161 : vector<16xf32> to vector<16xi32>
      %and3A_163 = arith.constant 2147483647 : i32
      %and3A_164 = vector.broadcast %and3A_163 : i32 to vector<16xi32>
      %and3A_165 = arith.andi %bitcast3A_162, %and3A_164 : vector<16xi32>
      %max3A_166 = arith.maxsi %max3A_158, %and3A_165 : vector<16xi32>
      %broadcast_in_dim3A_167 = arith.constant 7 : i32
      %broadcast_in_dim3A_168 = vector.broadcast %broadcast_in_dim3A_167 : i32 to vector<16xi32>
      %gather3A_169 = tpu.vector_load_idx %arg5[%add3A_111, %broadcast_in_dim3A_168] : memref<256x64xf32, #tpu.memory_space<vmem>>[vector<16xi32>, vector<16xi32>], vector<16xf32>,
      %bitcast3A_170 = vector.bitcast %gather3A_169 : vector<16xf32> to vector<16xi32>
      %and3A_171 = arith.constant 2147483647 : i32
      %and3A_172 = vector.broadcast %and3A_171 : i32 to vector<16xi32>
      %and3A_173 = arith.andi %bitcast3A_170, %and3A_172 : vector<16xi32>
      %max3A_174 = arith.maxsi %max3A_166, %and3A_173 : vector<16xi32>
      %broadcast_in_dim3A_175 = arith.constant 8 : i32
      %broadcast_in_dim3A_176 = vector.broadcast %broadcast_in_dim3A_175 : i32 to vector<16xi32>
      %gather3A_177 = tpu.vector_load_idx %arg5[%add3A_111, %broadcast_in_dim3A_176] : memref<256x64xf32, #tpu.memory_space<vmem>>[vector<16xi32>, vector<16xi32>], vector<16xf32>,
      %bitcast3A_178 = vector.bitcast %gather3A_177 : vector<16xf32> to vector<16xi32>
      %and3A_179 = arith.constant 2147483647 : i32
      %and3A_180 = vector.broadcast %and3A_179 : i32 to vector<16xi32>
      %and3A_181 = arith.andi %bitcast3A_178, %and3A_180 : vector<16xi32>
      %max3A_182 = arith.maxsi %max3A_174, %and3A_181 : vector<16xi32>
      %broadcast_in_dim3A_183 = arith.constant 9 : i32
      %broadcast_in_dim3A_184 = vector.broadcast %broadcast_in_dim3A_183 : i32 to vector<16xi32>
      %gather3A_185 = tpu.vector_load_idx %arg5[%add3A_111, %broadcast_in_dim3A_184] : memref<256x64xf32, #tpu.memory_space<vmem>>[vector<16xi32>, vector<16xi32>], vector<16xf32>,
      %bitcast3A_186 = vector.bitcast %gather3A_185 : vector<16xf32> to vector<16xi32>
      %and3A_187 = arith.constant 2147483647 : i32
      %and3A_188 = vector.broadcast %and3A_187 : i32 to vector<16xi32>
      %and3A_189 = arith.andi %bitcast3A_186, %and3A_188 : vector<16xi32>
      %max3A_190 = arith.maxsi %max3A_182, %and3A_189 : vector<16xi32>
      %broadcast_in_dim3A_191 = arith.constant 10 : i32
      %broadcast_in_dim3A_192 = vector.broadcast %broadcast_in_dim3A_191 : i32 to vector<16xi32>
      %gather3A_193 = tpu.vector_load_idx %arg5[%add3A_111, %broadcast_in_dim3A_192] : memref<256x64xf32, #tpu.memory_space<vmem>>[vector<16xi32>, vector<16xi32>], vector<16xf32>,
      %bitcast3A_194 = vector.bitcast %gather3A_193 : vector<16xf32> to vector<16xi32>
      %and3A_195 = arith.constant 2147483647 : i32
      %and3A_196 = vector.broadcast %and3A_195 : i32 to vector<16xi32>
      %and3A_197 = arith.andi %bitcast3A_194, %and3A_196 : vector<16xi32>
      %max3A_198 = arith.maxsi %max3A_190, %and3A_197 : vector<16xi32>
      %broadcast_in_dim3A_199 = arith.constant 11 : i32
      %broadcast_in_dim3A_200 = vector.broadcast %broadcast_in_dim3A_199 : i32 to vector<16xi32>
      %gather3A_201 = tpu.vector_load_idx %arg5[%add3A_111, %broadcast_in_dim3A_200] : memref<256x64xf32, #tpu.memory_space<vmem>>[vector<16xi32>, vector<16xi32>], vector<16xf32>,
      %bitcast3A_202 = vector.bitcast %gather3A_201 : vector<16xf32> to vector<16xi32>
      %and3A_203 = arith.constant 2147483647 : i32
      %and3A_204 = vector.broadcast %and3A_203 : i32 to vector<16xi32>
      %and3A_205 = arith.andi %bitcast3A_202, %and3A_204 : vector<16xi32>
      %max3A_206 = arith.maxsi %max3A_198, %and3A_205 : vector<16xi32>
      %broadcast_in_dim3A_207 = arith.constant 12 : i32
      %broadcast_in_dim3A_208 = vector.broadcast %broadcast_in_dim3A_207 : i32 to vector<16xi32>
      %gather3A_209 = tpu.vector_load_idx %arg5[%add3A_111, %broadcast_in_dim3A_208] : memref<256x64xf32, #tpu.memory_space<vmem>>[vector<16xi32>, vector<16xi32>], vector<16xf32>,
      %bitcast3A_210 = vector.bitcast %gather3A_209 : vector<16xf32> to vector<16xi32>
      %and3A_211 = arith.constant 2147483647 : i32
      %and3A_212 = vector.broadcast %and3A_211 : i32 to vector<16xi32>
      %and3A_213 = arith.andi %bitcast3A_210, %and3A_212 : vector<16xi32>
      %max3A_214 = arith.maxsi %max3A_206, %and3A_213 : vector<16xi32>
      %broadcast_in_dim3A_215 = arith.constant 13 : i32
      %broadcast_in_dim3A_216 = vector.broadcast %broadcast_in_dim3A_215 : i32 to vector<16xi32>
      %gather3A_217 = tpu.vector_load_idx %arg5[%add3A_111, %broadcast_in_dim3A_216] : memref<256x64xf32, #tpu.memory_space<vmem>>[vector<16xi32>, vector<16xi32>], vector<16xf32>,
      %bitcast3A_218 = vector.bitcast %gather3A_217 : vector<16xf32> to vector<16xi32>
      %and3A_219 = arith.constant 2147483647 : i32
      %and3A_220 = vector.broadcast %and3A_219 : i32 to vector<16xi32>
      %and3A_221 = arith.andi %bitcast3A_218, %and3A_220 : vector<16xi32>
      %max3A_222 = arith.maxsi %max3A_214, %and3A_221 : vector<16xi32>
      %broadcast_in_dim3A_223 = arith.constant 14 : i32
      %broadcast_in_dim3A_224 = vector.broadcast %broadcast_in_dim3A_223 : i32 to vector<16xi32>
      %gather3A_225 = tpu.vector_load_idx %arg5[%add3A_111, %broadcast_in_dim3A_224] : memref<256x64xf32, #tpu.memory_space<vmem>>[vector<16xi32>, vector<16xi32>], vector<16xf32>,
      %bitcast3A_226 = vector.bitcast %gather3A_225 : vector<16xf32> to vector<16xi32>
      %and3A_227 = arith.constant 2147483647 : i32
      %and3A_228 = vector.broadcast %and3A_227 : i32 to vector<16xi32>
      %and3A_229 = arith.andi %bitcast3A_226, %and3A_228 : vector<16xi32>
      %max3A_230 = arith.maxsi %max3A_222, %and3A_229 : vector<16xi32>
      %broadcast_in_dim3A_231 = arith.constant 15 : i32
      %broadcast_in_dim3A_232 = vector.broadcast %broadcast_in_dim3A_231 : i32 to vector<16xi32>
      %gather3A_233 = tpu.vector_load_idx %arg5[%add3A_111, %broadcast_in_dim3A_232] : memref<256x64xf32, #tpu.memory_space<vmem>>[vector<16xi32>, vector<16xi32>], vector<16xf32>,
      %bitcast3A_234 = vector.bitcast %gather3A_233 : vector<16xf32> to vector<16xi32>
      %and3A_235 = arith.constant 2147483647 : i32
      %and3A_236 = vector.broadcast %and3A_235 : i32 to vector<16xi32>
      %and3A_237 = arith.andi %bitcast3A_234, %and3A_236 : vector<16xi32>
      %max3A_238 = arith.maxsi %max3A_230, %and3A_237 : vector<16xi32>
      %broadcast_in_dim3A_239 = arith.constant 16 : i32
      %broadcast_in_dim3A_240 = vector.broadcast %broadcast_in_dim3A_239 : i32 to vector<16xi32>
      %gather3A_241 = tpu.vector_load_idx %arg5[%add3A_111, %broadcast_in_dim3A_240] : memref<256x64xf32, #tpu.memory_space<vmem>>[vector<16xi32>, vector<16xi32>], vector<16xf32>,
      %bitcast3A_242 = vector.bitcast %gather3A_241 : vector<16xf32> to vector<16xi32>
      %and3A_243 = arith.constant 2147483647 : i32
      %and3A_244 = vector.broadcast %and3A_243 : i32 to vector<16xi32>
      %and3A_245 = arith.andi %bitcast3A_242, %and3A_244 : vector<16xi32>
      %max3A_246 = arith.maxsi %max3A_238, %and3A_245 : vector<16xi32>
      %broadcast_in_dim3A_247 = arith.constant 17 : i32
      %broadcast_in_dim3A_248 = vector.broadcast %broadcast_in_dim3A_247 : i32 to vector<16xi32>
      %gather3A_249 = tpu.vector_load_idx %arg5[%add3A_111, %broadcast_in_dim3A_248] : memref<256x64xf32, #tpu.memory_space<vmem>>[vector<16xi32>, vector<16xi32>], vector<16xf32>,
      %bitcast3A_250 = vector.bitcast %gather3A_249 : vector<16xf32> to vector<16xi32>
      %and3A_251 = arith.constant 2147483647 : i32
      %and3A_252 = vector.broadcast %and3A_251 : i32 to vector<16xi32>
      %and3A_253 = arith.andi %bitcast3A_250, %and3A_252 : vector<16xi32>
      %max3A_254 = arith.maxsi %max3A_246, %and3A_253 : vector<16xi32>
      %broadcast_in_dim3A_255 = arith.constant 18 : i32
      %broadcast_in_dim3A_256 = vector.broadcast %broadcast_in_dim3A_255 : i32 to vector<16xi32>
      %gather3A_257 = tpu.vector_load_idx %arg5[%add3A_111, %broadcast_in_dim3A_256] : memref<256x64xf32, #tpu.memory_space<vmem>>[vector<16xi32>, vector<16xi32>], vector<16xf32>,
      %bitcast3A_258 = vector.bitcast %gather3A_257 : vector<16xf32> to vector<16xi32>
      %and3A_259 = arith.constant 2147483647 : i32
      %and3A_260 = vector.broadcast %and3A_259 : i32 to vector<16xi32>
      %and3A_261 = arith.andi %bitcast3A_258, %and3A_260 : vector<16xi32>
      %max3A_262 = arith.maxsi %max3A_254, %and3A_261 : vector<16xi32>
      %broadcast_in_dim3A_263 = arith.constant 19 : i32
      %broadcast_in_dim3A_264 = vector.broadcast %broadcast_in_dim3A_263 : i32 to vector<16xi32>
      %gather3A_265 = tpu.vector_load_idx %arg5[%add3A_111, %broadcast_in_dim3A_264] : memref<256x64xf32, #tpu.memory_space<vmem>>[vector<16xi32>, vector<16xi32>], vector<16xf32>,
      %bitcast3A_266 = vector.bitcast %gather3A_265 : vector<16xf32> to vector<16xi32>
      %and3A_267 = arith.constant 2147483647 : i32
      %and3A_268 = vector.broadcast %and3A_267 : i32 to vector<16xi32>
      %and3A_269 = arith.andi %bitcast3A_266, %and3A_268 : vector<16xi32>
      %max3A_270 = arith.maxsi %max3A_262, %and3A_269 : vector<16xi32>
      %broadcast_in_dim3A_271 = arith.constant 20 : i32
      %broadcast_in_dim3A_272 = vector.broadcast %broadcast_in_dim3A_271 : i32 to vector<16xi32>
      %gather3A_273 = tpu.vector_load_idx %arg5[%add3A_111, %broadcast_in_dim3A_272] : memref<256x64xf32, #tpu.memory_space<vmem>>[vector<16xi32>, vector<16xi32>], vector<16xf32>,
      %bitcast3A_274 = vector.bitcast %gather3A_273 : vector<16xf32> to vector<16xi32>
      %and3A_275 = arith.constant 2147483647 : i32
      %and3A_276 = vector.broadcast %and3A_275 : i32 to vector<16xi32>
      %and3A_277 = arith.andi %bitcast3A_274, %and3A_276 : vector<16xi32>
      %max3A_278 = arith.maxsi %max3A_270, %and3A_277 : vector<16xi32>
      %broadcast_in_dim3A_279 = arith.constant 21 : i32
      %broadcast_in_dim3A_280 = vector.broadcast %broadcast_in_dim3A_279 : i32 to vector<16xi32>
      %gather3A_281 = tpu.vector_load_idx %arg5[%add3A_111, %broadcast_in_dim3A_280] : memref<256x64xf32, #tpu.memory_space<vmem>>[vector<16xi32>, vector<16xi32>], vector<16xf32>,
      %bitcast3A_282 = vector.bitcast %gather3A_281 : vector<16xf32> to vector<16xi32>
      %and3A_283 = arith.constant 2147483647 : i32
      %and3A_284 = vector.broadcast %and3A_283 : i32 to vector<16xi32>
      %and3A_285 = arith.andi %bitcast3A_282, %and3A_284 : vector<16xi32>
      %max3A_286 = arith.maxsi %max3A_278, %and3A_285 : vector<16xi32>
      %broadcast_in_dim3A_287 = arith.constant 22 : i32
      %broadcast_in_dim3A_288 = vector.broadcast %broadcast_in_dim3A_287 : i32 to vector<16xi32>
      %gather3A_289 = tpu.vector_load_idx %arg5[%add3A_111, %broadcast_in_dim3A_288] : memref<256x64xf32, #tpu.memory_space<vmem>>[vector<16xi32>, vector<16xi32>], vector<16xf32>,
      %bitcast3A_290 = vector.bitcast %gather3A_289 : vector<16xf32> to vector<16xi32>
      %and3A_291 = arith.constant 2147483647 : i32
      %and3A_292 = vector.broadcast %and3A_291 : i32 to vector<16xi32>
      %and3A_293 = arith.andi %bitcast3A_290, %and3A_292 : vector<16xi32>
      %max3A_294 = arith.maxsi %max3A_286, %and3A_293 : vector<16xi32>
      %broadcast_in_dim3A_295 = arith.constant 23 : i32
      %broadcast_in_dim3A_296 = vector.broadcast %broadcast_in_dim3A_295 : i32 to vector<16xi32>
      %gather3A_297 = tpu.vector_load_idx %arg5[%add3A_111, %broadcast_in_dim3A_296] : memref<256x64xf32, #tpu.memory_space<vmem>>[vector<16xi32>, vector<16xi32>], vector<16xf32>,
      %bitcast3A_298 = vector.bitcast %gather3A_297 : vector<16xf32> to vector<16xi32>
      %and3A_299 = arith.constant 2147483647 : i32
      %and3A_300 = vector.broadcast %and3A_299 : i32 to vector<16xi32>
      %and3A_301 = arith.andi %bitcast3A_298, %and3A_300 : vector<16xi32>
      %max3A_302 = arith.maxsi %max3A_294, %and3A_301 : vector<16xi32>
      %broadcast_in_dim3A_303 = arith.constant 24 : i32
      %broadcast_in_dim3A_304 = vector.broadcast %broadcast_in_dim3A_303 : i32 to vector<16xi32>
      %gather3A_305 = tpu.vector_load_idx %arg5[%add3A_111, %broadcast_in_dim3A_304] : memref<256x64xf32, #tpu.memory_space<vmem>>[vector<16xi32>, vector<16xi32>], vector<16xf32>,
      %bitcast3A_306 = vector.bitcast %gather3A_305 : vector<16xf32> to vector<16xi32>
      %and3A_307 = arith.constant 2147483647 : i32
      %and3A_308 = vector.broadcast %and3A_307 : i32 to vector<16xi32>
      %and3A_309 = arith.andi %bitcast3A_306, %and3A_308 : vector<16xi32>
      %max3A_310 = arith.maxsi %max3A_302, %and3A_309 : vector<16xi32>
      %broadcast_in_dim3A_311 = arith.constant 25 : i32
      %broadcast_in_dim3A_312 = vector.broadcast %broadcast_in_dim3A_311 : i32 to vector<16xi32>
      %gather3A_313 = tpu.vector_load_idx %arg5[%add3A_111, %broadcast_in_dim3A_312] : memref<256x64xf32, #tpu.memory_space<vmem>>[vector<16xi32>, vector<16xi32>], vector<16xf32>,
      %bitcast3A_314 = vector.bitcast %gather3A_313 : vector<16xf32> to vector<16xi32>
      %and3A_315 = arith.constant 2147483647 : i32
      %and3A_316 = vector.broadcast %and3A_315 : i32 to vector<16xi32>
      %and3A_317 = arith.andi %bitcast3A_314, %and3A_316 : vector<16xi32>
      %max3A_318 = arith.maxsi %max3A_310, %and3A_317 : vector<16xi32>
      %broadcast_in_dim3A_319 = arith.constant 26 : i32
      %broadcast_in_dim3A_320 = vector.broadcast %broadcast_in_dim3A_319 : i32 to vector<16xi32>
      %gather3A_321 = tpu.vector_load_idx %arg5[%add3A_111, %broadcast_in_dim3A_320] : memref<256x64xf32, #tpu.memory_space<vmem>>[vector<16xi32>, vector<16xi32>], vector<16xf32>,
      %bitcast3A_322 = vector.bitcast %gather3A_321 : vector<16xf32> to vector<16xi32>
      %and3A_323 = arith.constant 2147483647 : i32
      %and3A_324 = vector.broadcast %and3A_323 : i32 to vector<16xi32>
      %and3A_325 = arith.andi %bitcast3A_322, %and3A_324 : vector<16xi32>
      %max3A_326 = arith.maxsi %max3A_318, %and3A_325 : vector<16xi32>
      %broadcast_in_dim3A_327 = arith.constant 27 : i32
      %broadcast_in_dim3A_328 = vector.broadcast %broadcast_in_dim3A_327 : i32 to vector<16xi32>
      %gather3A_329 = tpu.vector_load_idx %arg5[%add3A_111, %broadcast_in_dim3A_328] : memref<256x64xf32, #tpu.memory_space<vmem>>[vector<16xi32>, vector<16xi32>], vector<16xf32>,
      %bitcast3A_330 = vector.bitcast %gather3A_329 : vector<16xf32> to vector<16xi32>
      %and3A_331 = arith.constant 2147483647 : i32
      %and3A_332 = vector.broadcast %and3A_331 : i32 to vector<16xi32>
      %and3A_333 = arith.andi %bitcast3A_330, %and3A_332 : vector<16xi32>
      %max3A_334 = arith.maxsi %max3A_326, %and3A_333 : vector<16xi32>
      %broadcast_in_dim3A_335 = arith.constant 28 : i32
      %broadcast_in_dim3A_336 = vector.broadcast %broadcast_in_dim3A_335 : i32 to vector<16xi32>
      %gather3A_337 = tpu.vector_load_idx %arg5[%add3A_111, %broadcast_in_dim3A_336] : memref<256x64xf32, #tpu.memory_space<vmem>>[vector<16xi32>, vector<16xi32>], vector<16xf32>,
      %bitcast3A_338 = vector.bitcast %gather3A_337 : vector<16xf32> to vector<16xi32>
      %and3A_339 = arith.constant 2147483647 : i32
      %and3A_340 = vector.broadcast %and3A_339 : i32 to vector<16xi32>
      %and3A_341 = arith.andi %bitcast3A_338, %and3A_340 : vector<16xi32>
      %max3A_342 = arith.maxsi %max3A_334, %and3A_341 : vector<16xi32>
      %broadcast_in_dim3A_343 = arith.constant 29 : i32
      %broadcast_in_dim3A_344 = vector.broadcast %broadcast_in_dim3A_343 : i32 to vector<16xi32>
      %gather3A_345 = tpu.vector_load_idx %arg5[%add3A_111, %broadcast_in_dim3A_344] : memref<256x64xf32, #tpu.memory_space<vmem>>[vector<16xi32>, vector<16xi32>], vector<16xf32>,
      %bitcast3A_346 = vector.bitcast %gather3A_345 : vector<16xf32> to vector<16xi32>
      %and3A_347 = arith.constant 2147483647 : i32
      %and3A_348 = vector.broadcast %and3A_347 : i32 to vector<16xi32>
      %and3A_349 = arith.andi %bitcast3A_346, %and3A_348 : vector<16xi32>
      %max3A_350 = arith.maxsi %max3A_342, %and3A_349 : vector<16xi32>
      %broadcast_in_dim3A_351 = arith.constant 30 : i32
      %broadcast_in_dim3A_352 = vector.broadcast %broadcast_in_dim3A_351 : i32 to vector<16xi32>
      %gather3A_353 = tpu.vector_load_idx %arg5[%add3A_111, %broadcast_in_dim3A_352] : memref<256x64xf32, #tpu.memory_space<vmem>>[vector<16xi32>, vector<16xi32>], vector<16xf32>,
      %bitcast3A_354 = vector.bitcast %gather3A_353 : vector<16xf32> to vector<16xi32>
      %and3A_355 = arith.constant 2147483647 : i32
      %and3A_356 = vector.broadcast %and3A_355 : i32 to vector<16xi32>
      %and3A_357 = arith.andi %bitcast3A_354, %and3A_356 : vector<16xi32>
      %max3A_358 = arith.maxsi %max3A_350, %and3A_357 : vector<16xi32>
      %broadcast_in_dim3A_359 = arith.constant 31 : i32
      %broadcast_in_dim3A_360 = vector.broadcast %broadcast_in_dim3A_359 : i32 to vector<16xi32>
      %gather3A_361 = tpu.vector_load_idx %arg5[%add3A_111, %broadcast_in_dim3A_360] : memref<256x64xf32, #tpu.memory_space<vmem>>[vector<16xi32>, vector<16xi32>], vector<16xf32>,
      %bitcast3A_362 = vector.bitcast %gather3A_361 : vector<16xf32> to vector<16xi32>
      %and3A_363 = arith.constant 2147483647 : i32
      %and3A_364 = vector.broadcast %and3A_363 : i32 to vector<16xi32>
      %and3A_365 = arith.andi %bitcast3A_362, %and3A_364 : vector<16xi32>
      %max3A_366 = arith.maxsi %max3A_358, %and3A_365 : vector<16xi32>
      %broadcast_in_dim3A_367 = arith.constant 32 : i32
      %broadcast_in_dim3A_368 = vector.broadcast %broadcast_in_dim3A_367 : i32 to vector<16xi32>
      %gather3A_369 = tpu.vector_load_idx %arg5[%add3A_111, %broadcast_in_dim3A_368] : memref<256x64xf32, #tpu.memory_space<vmem>>[vector<16xi32>, vector<16xi32>], vector<16xf32>,
      %bitcast3A_370 = vector.bitcast %gather3A_369 : vector<16xf32> to vector<16xi32>
      %and3A_371 = arith.constant 2147483647 : i32
      %and3A_372 = vector.broadcast %and3A_371 : i32 to vector<16xi32>
      %and3A_373 = arith.andi %bitcast3A_370, %and3A_372 : vector<16xi32>
      %max3A_374 = arith.maxsi %max3A_366, %and3A_373 : vector<16xi32>
      %broadcast_in_dim3A_375 = arith.constant 33 : i32
      %broadcast_in_dim3A_376 = vector.broadcast %broadcast_in_dim3A_375 : i32 to vector<16xi32>
      %gather3A_377 = tpu.vector_load_idx %arg5[%add3A_111, %broadcast_in_dim3A_376] : memref<256x64xf32, #tpu.memory_space<vmem>>[vector<16xi32>, vector<16xi32>], vector<16xf32>,
      %bitcast3A_378 = vector.bitcast %gather3A_377 : vector<16xf32> to vector<16xi32>
      %and3A_379 = arith.constant 2147483647 : i32
      %and3A_380 = vector.broadcast %and3A_379 : i32 to vector<16xi32>
      %and3A_381 = arith.andi %bitcast3A_378, %and3A_380 : vector<16xi32>
      %max3A_382 = arith.maxsi %max3A_374, %and3A_381 : vector<16xi32>
      %broadcast_in_dim3A_383 = arith.constant 34 : i32
      %broadcast_in_dim3A_384 = vector.broadcast %broadcast_in_dim3A_383 : i32 to vector<16xi32>
      %gather3A_385 = tpu.vector_load_idx %arg5[%add3A_111, %broadcast_in_dim3A_384] : memref<256x64xf32, #tpu.memory_space<vmem>>[vector<16xi32>, vector<16xi32>], vector<16xf32>,
      %bitcast3A_386 = vector.bitcast %gather3A_385 : vector<16xf32> to vector<16xi32>
      %and3A_387 = arith.constant 2147483647 : i32
      %and3A_388 = vector.broadcast %and3A_387 : i32 to vector<16xi32>
      %and3A_389 = arith.andi %bitcast3A_386, %and3A_388 : vector<16xi32>
      %max3A_390 = arith.maxsi %max3A_382, %and3A_389 : vector<16xi32>
      %broadcast_in_dim3A_391 = arith.constant 35 : i32
      %broadcast_in_dim3A_392 = vector.broadcast %broadcast_in_dim3A_391 : i32 to vector<16xi32>
      %gather3A_393 = tpu.vector_load_idx %arg5[%add3A_111, %broadcast_in_dim3A_392] : memref<256x64xf32, #tpu.memory_space<vmem>>[vector<16xi32>, vector<16xi32>], vector<16xf32>,
      %bitcast3A_394 = vector.bitcast %gather3A_393 : vector<16xf32> to vector<16xi32>
      %and3A_395 = arith.constant 2147483647 : i32
      %and3A_396 = vector.broadcast %and3A_395 : i32 to vector<16xi32>
      %and3A_397 = arith.andi %bitcast3A_394, %and3A_396 : vector<16xi32>
      %max3A_398 = arith.maxsi %max3A_390, %and3A_397 : vector<16xi32>
      %broadcast_in_dim3A_399 = arith.constant 36 : i32
      %broadcast_in_dim3A_400 = vector.broadcast %broadcast_in_dim3A_399 : i32 to vector<16xi32>
      %gather3A_401 = tpu.vector_load_idx %arg5[%add3A_111, %broadcast_in_dim3A_400] : memref<256x64xf32, #tpu.memory_space<vmem>>[vector<16xi32>, vector<16xi32>], vector<16xf32>,
      %bitcast3A_402 = vector.bitcast %gather3A_401 : vector<16xf32> to vector<16xi32>
      %and3A_403 = arith.constant 2147483647 : i32
      %and3A_404 = vector.broadcast %and3A_403 : i32 to vector<16xi32>
      %and3A_405 = arith.andi %bitcast3A_402, %and3A_404 : vector<16xi32>
      %max3A_406 = arith.maxsi %max3A_398, %and3A_405 : vector<16xi32>
      %broadcast_in_dim3A_407 = arith.constant 37 : i32
      %broadcast_in_dim3A_408 = vector.broadcast %broadcast_in_dim3A_407 : i32 to vector<16xi32>
      %gather3A_409 = tpu.vector_load_idx %arg5[%add3A_111, %broadcast_in_dim3A_408] : memref<256x64xf32, #tpu.memory_space<vmem>>[vector<16xi32>, vector<16xi32>], vector<16xf32>,
      %bitcast3A_410 = vector.bitcast %gather3A_409 : vector<16xf32> to vector<16xi32>
      %and3A_411 = arith.constant 2147483647 : i32
      %and3A_412 = vector.broadcast %and3A_411 : i32 to vector<16xi32>
      %and3A_413 = arith.andi %bitcast3A_410, %and3A_412 : vector<16xi32>
      %max3A_414 = arith.maxsi %max3A_406, %and3A_413 : vector<16xi32>
      %broadcast_in_dim3A_415 = arith.constant 38 : i32
      %broadcast_in_dim3A_416 = vector.broadcast %broadcast_in_dim3A_415 : i32 to vector<16xi32>
      %gather3A_417 = tpu.vector_load_idx %arg5[%add3A_111, %broadcast_in_dim3A_416] : memref<256x64xf32, #tpu.memory_space<vmem>>[vector<16xi32>, vector<16xi32>], vector<16xf32>,
      %bitcast3A_418 = vector.bitcast %gather3A_417 : vector<16xf32> to vector<16xi32>
      %and3A_419 = arith.constant 2147483647 : i32
      %and3A_420 = vector.broadcast %and3A_419 : i32 to vector<16xi32>
      %and3A_421 = arith.andi %bitcast3A_418, %and3A_420 : vector<16xi32>
      %max3A_422 = arith.maxsi %max3A_414, %and3A_421 : vector<16xi32>
      %broadcast_in_dim3A_423 = arith.constant 39 : i32
      %broadcast_in_dim3A_424 = vector.broadcast %broadcast_in_dim3A_423 : i32 to vector<16xi32>
      %gather3A_425 = tpu.vector_load_idx %arg5[%add3A_111, %broadcast_in_dim3A_424] : memref<256x64xf32, #tpu.memory_space<vmem>>[vector<16xi32>, vector<16xi32>], vector<16xf32>,
      %bitcast3A_426 = vector.bitcast %gather3A_425 : vector<16xf32> to vector<16xi32>
      %and3A_427 = arith.constant 2147483647 : i32
      %and3A_428 = vector.broadcast %and3A_427 : i32 to vector<16xi32>
      %and3A_429 = arith.andi %bitcast3A_426, %and3A_428 : vector<16xi32>
      %max3A_430 = arith.maxsi %max3A_422, %and3A_429 : vector<16xi32>
      %broadcast_in_dim3A_431 = arith.constant 40 : i32
      %broadcast_in_dim3A_432 = vector.broadcast %broadcast_in_dim3A_431 : i32 to vector<16xi32>
      %gather3A_433 = tpu.vector_load_idx %arg5[%add3A_111, %broadcast_in_dim3A_432] : memref<256x64xf32, #tpu.memory_space<vmem>>[vector<16xi32>, vector<16xi32>], vector<16xf32>,
      %bitcast3A_434 = vector.bitcast %gather3A_433 : vector<16xf32> to vector<16xi32>
      %and3A_435 = arith.constant 2147483647 : i32
      %and3A_436 = vector.broadcast %and3A_435 : i32 to vector<16xi32>
      %and3A_437 = arith.andi %bitcast3A_434, %and3A_436 : vector<16xi32>
      %max3A_438 = arith.maxsi %max3A_430, %and3A_437 : vector<16xi32>
      %broadcast_in_dim3A_439 = arith.constant 41 : i32
      %broadcast_in_dim3A_440 = vector.broadcast %broadcast_in_dim3A_439 : i32 to vector<16xi32>
      %gather3A_441 = tpu.vector_load_idx %arg5[%add3A_111, %broadcast_in_dim3A_440] : memref<256x64xf32, #tpu.memory_space<vmem>>[vector<16xi32>, vector<16xi32>], vector<16xf32>,
      %bitcast3A_442 = vector.bitcast %gather3A_441 : vector<16xf32> to vector<16xi32>
      %and3A_443 = arith.constant 2147483647 : i32
      %and3A_444 = vector.broadcast %and3A_443 : i32 to vector<16xi32>
      %and3A_445 = arith.andi %bitcast3A_442, %and3A_444 : vector<16xi32>
      %max3A_446 = arith.maxsi %max3A_438, %and3A_445 : vector<16xi32>
      %broadcast_in_dim3A_447 = arith.constant 42 : i32
      %broadcast_in_dim3A_448 = vector.broadcast %broadcast_in_dim3A_447 : i32 to vector<16xi32>
      %gather3A_449 = tpu.vector_load_idx %arg5[%add3A_111, %broadcast_in_dim3A_448] : memref<256x64xf32, #tpu.memory_space<vmem>>[vector<16xi32>, vector<16xi32>], vector<16xf32>,
      %bitcast3A_450 = vector.bitcast %gather3A_449 : vector<16xf32> to vector<16xi32>
      %and3A_451 = arith.constant 2147483647 : i32
      %and3A_452 = vector.broadcast %and3A_451 : i32 to vector<16xi32>
      %and3A_453 = arith.andi %bitcast3A_450, %and3A_452 : vector<16xi32>
      %max3A_454 = arith.maxsi %max3A_446, %and3A_453 : vector<16xi32>
      %broadcast_in_dim3A_455 = arith.constant 43 : i32
      %broadcast_in_dim3A_456 = vector.broadcast %broadcast_in_dim3A_455 : i32 to vector<16xi32>
      %gather3A_457 = tpu.vector_load_idx %arg5[%add3A_111, %broadcast_in_dim3A_456] : memref<256x64xf32, #tpu.memory_space<vmem>>[vector<16xi32>, vector<16xi32>], vector<16xf32>,
      %bitcast3A_458 = vector.bitcast %gather3A_457 : vector<16xf32> to vector<16xi32>
      %and3A_459 = arith.constant 2147483647 : i32
      %and3A_460 = vector.broadcast %and3A_459 : i32 to vector<16xi32>
      %and3A_461 = arith.andi %bitcast3A_458, %and3A_460 : vector<16xi32>
      %max3A_462 = arith.maxsi %max3A_454, %and3A_461 : vector<16xi32>
      %broadcast_in_dim3A_463 = arith.constant 44 : i32
      %broadcast_in_dim3A_464 = vector.broadcast %broadcast_in_dim3A_463 : i32 to vector<16xi32>
      %gather3A_465 = tpu.vector_load_idx %arg5[%add3A_111, %broadcast_in_dim3A_464] : memref<256x64xf32, #tpu.memory_space<vmem>>[vector<16xi32>, vector<16xi32>], vector<16xf32>,
      %bitcast3A_466 = vector.bitcast %gather3A_465 : vector<16xf32> to vector<16xi32>
      %and3A_467 = arith.constant 2147483647 : i32
      %and3A_468 = vector.broadcast %and3A_467 : i32 to vector<16xi32>
      %and3A_469 = arith.andi %bitcast3A_466, %and3A_468 : vector<16xi32>
      %max3A_470 = arith.maxsi %max3A_462, %and3A_469 : vector<16xi32>
      %broadcast_in_dim3A_471 = arith.constant 45 : i32
      %broadcast_in_dim3A_472 = vector.broadcast %broadcast_in_dim3A_471 : i32 to vector<16xi32>
      %gather3A_473 = tpu.vector_load_idx %arg5[%add3A_111, %broadcast_in_dim3A_472] : memref<256x64xf32, #tpu.memory_space<vmem>>[vector<16xi32>, vector<16xi32>], vector<16xf32>,
      %bitcast3A_474 = vector.bitcast %gather3A_473 : vector<16xf32> to vector<16xi32>
      %and3A_475 = arith.constant 2147483647 : i32
      %and3A_476 = vector.broadcast %and3A_475 : i32 to vector<16xi32>
      %and3A_477 = arith.andi %bitcast3A_474, %and3A_476 : vector<16xi32>
      %max3A_478 = arith.maxsi %max3A_470, %and3A_477 : vector<16xi32>
      %broadcast_in_dim3A_479 = arith.constant 46 : i32
      %broadcast_in_dim3A_480 = vector.broadcast %broadcast_in_dim3A_479 : i32 to vector<16xi32>
      %gather3A_481 = tpu.vector_load_idx %arg5[%add3A_111, %broadcast_in_dim3A_480] : memref<256x64xf32, #tpu.memory_space<vmem>>[vector<16xi32>, vector<16xi32>], vector<16xf32>,
      %bitcast3A_482 = vector.bitcast %gather3A_481 : vector<16xf32> to vector<16xi32>
      %and3A_483 = arith.constant 2147483647 : i32
      %and3A_484 = vector.broadcast %and3A_483 : i32 to vector<16xi32>
      %and3A_485 = arith.andi %bitcast3A_482, %and3A_484 : vector<16xi32>
      %max3A_486 = arith.maxsi %max3A_478, %and3A_485 : vector<16xi32>
      %broadcast_in_dim3A_487 = arith.constant 47 : i32
      %broadcast_in_dim3A_488 = vector.broadcast %broadcast_in_dim3A_487 : i32 to vector<16xi32>
      %gather3A_489 = tpu.vector_load_idx %arg5[%add3A_111, %broadcast_in_dim3A_488] : memref<256x64xf32, #tpu.memory_space<vmem>>[vector<16xi32>, vector<16xi32>], vector<16xf32>,
      %bitcast3A_490 = vector.bitcast %gather3A_489 : vector<16xf32> to vector<16xi32>
      %and3A_491 = arith.constant 2147483647 : i32
      %and3A_492 = vector.broadcast %and3A_491 : i32 to vector<16xi32>
      %and3A_493 = arith.andi %bitcast3A_490, %and3A_492 : vector<16xi32>
      %max3A_494 = arith.maxsi %max3A_486, %and3A_493 : vector<16xi32>
      %broadcast_in_dim3A_495 = arith.constant 48 : i32
      %broadcast_in_dim3A_496 = vector.broadcast %broadcast_in_dim3A_495 : i32 to vector<16xi32>
      %gather3A_497 = tpu.vector_load_idx %arg5[%add3A_111, %broadcast_in_dim3A_496] : memref<256x64xf32, #tpu.memory_space<vmem>>[vector<16xi32>, vector<16xi32>], vector<16xf32>,
      %bitcast3A_498 = vector.bitcast %gather3A_497 : vector<16xf32> to vector<16xi32>
      %and3A_499 = arith.constant 2147483647 : i32
      %and3A_500 = vector.broadcast %and3A_499 : i32 to vector<16xi32>
      %and3A_501 = arith.andi %bitcast3A_498, %and3A_500 : vector<16xi32>
      %max3A_502 = arith.maxsi %max3A_494, %and3A_501 : vector<16xi32>
      %broadcast_in_dim3A_503 = arith.constant 49 : i32
      %broadcast_in_dim3A_504 = vector.broadcast %broadcast_in_dim3A_503 : i32 to vector<16xi32>
      %gather3A_505 = tpu.vector_load_idx %arg5[%add3A_111, %broadcast_in_dim3A_504] : memref<256x64xf32, #tpu.memory_space<vmem>>[vector<16xi32>, vector<16xi32>], vector<16xf32>,
      %bitcast3A_506 = vector.bitcast %gather3A_505 : vector<16xf32> to vector<16xi32>
      %and3A_507 = arith.constant 2147483647 : i32
      %and3A_508 = vector.broadcast %and3A_507 : i32 to vector<16xi32>
      %and3A_509 = arith.andi %bitcast3A_506, %and3A_508 : vector<16xi32>
      %max3A_510 = arith.maxsi %max3A_502, %and3A_509 : vector<16xi32>
      %broadcast_in_dim3A_511 = arith.constant 50 : i32
      %broadcast_in_dim3A_512 = vector.broadcast %broadcast_in_dim3A_511 : i32 to vector<16xi32>
      %gather3A_513 = tpu.vector_load_idx %arg5[%add3A_111, %broadcast_in_dim3A_512] : memref<256x64xf32, #tpu.memory_space<vmem>>[vector<16xi32>, vector<16xi32>], vector<16xf32>,
      %bitcast3A_514 = vector.bitcast %gather3A_513 : vector<16xf32> to vector<16xi32>
      %and3A_515 = arith.constant 2147483647 : i32
      %and3A_516 = vector.broadcast %and3A_515 : i32 to vector<16xi32>
      %and3A_517 = arith.andi %bitcast3A_514, %and3A_516 : vector<16xi32>
      %max3A_518 = arith.maxsi %max3A_510, %and3A_517 : vector<16xi32>
      %broadcast_in_dim3A_519 = arith.constant 51 : i32
      %broadcast_in_dim3A_520 = vector.broadcast %broadcast_in_dim3A_519 : i32 to vector<16xi32>
      %gather3A_521 = tpu.vector_load_idx %arg5[%add3A_111, %broadcast_in_dim3A_520] : memref<256x64xf32, #tpu.memory_space<vmem>>[vector<16xi32>, vector<16xi32>], vector<16xf32>,
      %bitcast3A_522 = vector.bitcast %gather3A_521 : vector<16xf32> to vector<16xi32>
      %and3A_523 = arith.constant 2147483647 : i32
      %and3A_524 = vector.broadcast %and3A_523 : i32 to vector<16xi32>
      %and3A_525 = arith.andi %bitcast3A_522, %and3A_524 : vector<16xi32>
      %max3A_526 = arith.maxsi %max3A_518, %and3A_525 : vector<16xi32>
      %broadcast_in_dim3A_527 = arith.constant 52 : i32
      %broadcast_in_dim3A_528 = vector.broadcast %broadcast_in_dim3A_527 : i32 to vector<16xi32>
      %gather3A_529 = tpu.vector_load_idx %arg5[%add3A_111, %broadcast_in_dim3A_528] : memref<256x64xf32, #tpu.memory_space<vmem>>[vector<16xi32>, vector<16xi32>], vector<16xf32>,
      %bitcast3A_530 = vector.bitcast %gather3A_529 : vector<16xf32> to vector<16xi32>
      %and3A_531 = arith.constant 2147483647 : i32
      %and3A_532 = vector.broadcast %and3A_531 : i32 to vector<16xi32>
      %and3A_533 = arith.andi %bitcast3A_530, %and3A_532 : vector<16xi32>
      %max3A_534 = arith.maxsi %max3A_526, %and3A_533 : vector<16xi32>
      %broadcast_in_dim3A_535 = arith.constant 53 : i32
      %broadcast_in_dim3A_536 = vector.broadcast %broadcast_in_dim3A_535 : i32 to vector<16xi32>
      %gather3A_537 = tpu.vector_load_idx %arg5[%add3A_111, %broadcast_in_dim3A_536] : memref<256x64xf32, #tpu.memory_space<vmem>>[vector<16xi32>, vector<16xi32>], vector<16xf32>,
      %bitcast3A_538 = vector.bitcast %gather3A_537 : vector<16xf32> to vector<16xi32>
      %and3A_539 = arith.constant 2147483647 : i32
      %and3A_540 = vector.broadcast %and3A_539 : i32 to vector<16xi32>
      %and3A_541 = arith.andi %bitcast3A_538, %and3A_540 : vector<16xi32>
      %max3A_542 = arith.maxsi %max3A_534, %and3A_541 : vector<16xi32>
      %broadcast_in_dim3A_543 = arith.constant 54 : i32
      %broadcast_in_dim3A_544 = vector.broadcast %broadcast_in_dim3A_543 : i32 to vector<16xi32>
      %gather3A_545 = tpu.vector_load_idx %arg5[%add3A_111, %broadcast_in_dim3A_544] : memref<256x64xf32, #tpu.memory_space<vmem>>[vector<16xi32>, vector<16xi32>], vector<16xf32>,
      %bitcast3A_546 = vector.bitcast %gather3A_545 : vector<16xf32> to vector<16xi32>
      %and3A_547 = arith.constant 2147483647 : i32
      %and3A_548 = vector.broadcast %and3A_547 : i32 to vector<16xi32>
      %and3A_549 = arith.andi %bitcast3A_546, %and3A_548 : vector<16xi32>
      %max3A_550 = arith.maxsi %max3A_542, %and3A_549 : vector<16xi32>
      %broadcast_in_dim3A_551 = arith.constant 55 : i32
      %broadcast_in_dim3A_552 = vector.broadcast %broadcast_in_dim3A_551 : i32 to vector<16xi32>
      %gather3A_553 = tpu.vector_load_idx %arg5[%add3A_111, %broadcast_in_dim3A_552] : memref<256x64xf32, #tpu.memory_space<vmem>>[vector<16xi32>, vector<16xi32>], vector<16xf32>,
      %bitcast3A_554 = vector.bitcast %gather3A_553 : vector<16xf32> to vector<16xi32>
      %and3A_555 = arith.constant 2147483647 : i32
      %and3A_556 = vector.broadcast %and3A_555 : i32 to vector<16xi32>
      %and3A_557 = arith.andi %bitcast3A_554, %and3A_556 : vector<16xi32>
      %max3A_558 = arith.maxsi %max3A_550, %and3A_557 : vector<16xi32>
      %broadcast_in_dim3A_559 = arith.constant 56 : i32
      %broadcast_in_dim3A_560 = vector.broadcast %broadcast_in_dim3A_559 : i32 to vector<16xi32>
      %gather3A_561 = tpu.vector_load_idx %arg5[%add3A_111, %broadcast_in_dim3A_560] : memref<256x64xf32, #tpu.memory_space<vmem>>[vector<16xi32>, vector<16xi32>], vector<16xf32>,
      %bitcast3A_562 = vector.bitcast %gather3A_561 : vector<16xf32> to vector<16xi32>
      %and3A_563 = arith.constant 2147483647 : i32
      %and3A_564 = vector.broadcast %and3A_563 : i32 to vector<16xi32>
      %and3A_565 = arith.andi %bitcast3A_562, %and3A_564 : vector<16xi32>
      %max3A_566 = arith.maxsi %max3A_558, %and3A_565 : vector<16xi32>
      %broadcast_in_dim3A_567 = arith.constant 57 : i32
      %broadcast_in_dim3A_568 = vector.broadcast %broadcast_in_dim3A_567 : i32 to vector<16xi32>
      %gather3A_569 = tpu.vector_load_idx %arg5[%add3A_111, %broadcast_in_dim3A_568] : memref<256x64xf32, #tpu.memory_space<vmem>>[vector<16xi32>, vector<16xi32>], vector<16xf32>,
      %bitcast3A_570 = vector.bitcast %gather3A_569 : vector<16xf32> to vector<16xi32>
      %and3A_571 = arith.constant 2147483647 : i32
      %and3A_572 = vector.broadcast %and3A_571 : i32 to vector<16xi32>
      %and3A_573 = arith.andi %bitcast3A_570, %and3A_572 : vector<16xi32>
      %max3A_574 = arith.maxsi %max3A_566, %and3A_573 : vector<16xi32>
      %broadcast_in_dim3A_575 = arith.constant 58 : i32
      %broadcast_in_dim3A_576 = vector.broadcast %broadcast_in_dim3A_575 : i32 to vector<16xi32>
      %gather3A_577 = tpu.vector_load_idx %arg5[%add3A_111, %broadcast_in_dim3A_576] : memref<256x64xf32, #tpu.memory_space<vmem>>[vector<16xi32>, vector<16xi32>], vector<16xf32>,
      %bitcast3A_578 = vector.bitcast %gather3A_577 : vector<16xf32> to vector<16xi32>
      %and3A_579 = arith.constant 2147483647 : i32
      %and3A_580 = vector.broadcast %and3A_579 : i32 to vector<16xi32>
      %and3A_581 = arith.andi %bitcast3A_578, %and3A_580 : vector<16xi32>
      %max3A_582 = arith.maxsi %max3A_574, %and3A_581 : vector<16xi32>
      %broadcast_in_dim3A_583 = arith.constant 59 : i32
      %broadcast_in_dim3A_584 = vector.broadcast %broadcast_in_dim3A_583 : i32 to vector<16xi32>
      %gather3A_585 = tpu.vector_load_idx %arg5[%add3A_111, %broadcast_in_dim3A_584] : memref<256x64xf32, #tpu.memory_space<vmem>>[vector<16xi32>, vector<16xi32>], vector<16xf32>,
      %bitcast3A_586 = vector.bitcast %gather3A_585 : vector<16xf32> to vector<16xi32>
      %and3A_587 = arith.constant 2147483647 : i32
      %and3A_588 = vector.broadcast %and3A_587 : i32 to vector<16xi32>
      %and3A_589 = arith.andi %bitcast3A_586, %and3A_588 : vector<16xi32>
      %max3A_590 = arith.maxsi %max3A_582, %and3A_589 : vector<16xi32>
      %broadcast_in_dim3A_591 = arith.constant 60 : i32
      %broadcast_in_dim3A_592 = vector.broadcast %broadcast_in_dim3A_591 : i32 to vector<16xi32>
      %gather3A_593 = tpu.vector_load_idx %arg5[%add3A_111, %broadcast_in_dim3A_592] : memref<256x64xf32, #tpu.memory_space<vmem>>[vector<16xi32>, vector<16xi32>], vector<16xf32>,
      %bitcast3A_594 = vector.bitcast %gather3A_593 : vector<16xf32> to vector<16xi32>
      %and3A_595 = arith.constant 2147483647 : i32
      %and3A_596 = vector.broadcast %and3A_595 : i32 to vector<16xi32>
      %and3A_597 = arith.andi %bitcast3A_594, %and3A_596 : vector<16xi32>
      %max3A_598 = arith.maxsi %max3A_590, %and3A_597 : vector<16xi32>
      %broadcast_in_dim3A_599 = arith.constant 61 : i32
      %broadcast_in_dim3A_600 = vector.broadcast %broadcast_in_dim3A_599 : i32 to vector<16xi32>
      %gather3A_601 = tpu.vector_load_idx %arg5[%add3A_111, %broadcast_in_dim3A_600] : memref<256x64xf32, #tpu.memory_space<vmem>>[vector<16xi32>, vector<16xi32>], vector<16xf32>,
      %bitcast3A_602 = vector.bitcast %gather3A_601 : vector<16xf32> to vector<16xi32>
      %and3A_603 = arith.constant 2147483647 : i32
      %and3A_604 = vector.broadcast %and3A_603 : i32 to vector<16xi32>
      %and3A_605 = arith.andi %bitcast3A_602, %and3A_604 : vector<16xi32>
      %max3A_606 = arith.maxsi %max3A_598, %and3A_605 : vector<16xi32>
      %broadcast_in_dim3A_607 = arith.constant 62 : i32
      %broadcast_in_dim3A_608 = vector.broadcast %broadcast_in_dim3A_607 : i32 to vector<16xi32>
      %gather3A_609 = tpu.vector_load_idx %arg5[%add3A_111, %broadcast_in_dim3A_608] : memref<256x64xf32, #tpu.memory_space<vmem>>[vector<16xi32>, vector<16xi32>], vector<16xf32>,
      %bitcast3A_610 = vector.bitcast %gather3A_609 : vector<16xf32> to vector<16xi32>
      %and3A_611 = arith.constant 2147483647 : i32
      %and3A_612 = vector.broadcast %and3A_611 : i32 to vector<16xi32>
      %and3A_613 = arith.andi %bitcast3A_610, %and3A_612 : vector<16xi32>
      %max3A_614 = arith.maxsi %max3A_606, %and3A_613 : vector<16xi32>
      %broadcast_in_dim3A_615 = arith.constant 63 : i32
      %broadcast_in_dim3A_616 = vector.broadcast %broadcast_in_dim3A_615 : i32 to vector<16xi32>
      %gather3A_617 = tpu.vector_load_idx %arg5[%add3A_111, %broadcast_in_dim3A_616] : memref<256x64xf32, #tpu.memory_space<vmem>>[vector<16xi32>, vector<16xi32>], vector<16xf32>,
      %bitcast3A_618 = vector.bitcast %gather3A_617 : vector<16xf32> to vector<16xi32>
      %and3A_619 = arith.constant 2147483647 : i32
      %and3A_620 = vector.broadcast %and3A_619 : i32 to vector<16xi32>
      %and3A_621 = arith.andi %bitcast3A_618, %and3A_620 : vector<16xi32>
      %max3A_622 = arith.maxsi %max3A_614, %and3A_621 : vector<16xi32>
      %gt3A = arith.constant 2139095040 : i32
      %gt3A_623 = vector.broadcast %gt3A : i32 to vector<16xi32>
      %gt3A_624 = arith.cmpi sgt, %max3A_622, %gt3A_623 : vector<16xi32>
      %jit3A_625 = arith.constant 1 : i32
      %jit3A_626 = arith.constant 0 : i32
      %broadcast_in_dim3A_627 = vector.broadcast %jit3A_625 : i32 to vector<16xi32>
      %broadcast_in_dim3A_628 = vector.broadcast %jit3A_626 : i32 to vector<16xi32>
      %select_n3A_629 = arith.select %gt3A_624, %broadcast_in_dim3A_627, %broadcast_in_dim3A_628 : vector<16xi1>, vector<16xi32>
      %mul3A_630 = arith.constant 16 : i32
      %mul3A_631 = arith.muli %scan3A_106, %mul3A_630 : i32
      %swap3A_632 = arith.index_cast %mul3A_631 : i32 to index
      %swap3A_633 = tpu.vector_load %arg6[%swap3A_632] {strides = array<i32>} : memref<256xi32, #tpu.memory_space<vmem>>, vector<16xi32>,
      tpu.vector_store %arg6[%swap3A_632], %select_n3A_629 {strides = array<i32>} : memref<256xi32, #tpu.memory_space<vmem>>, vector<16xi32>,
      %all_reduce_population_count3A = tpu.all_reduce %gt3A_624 {dim = 0 : i64, kind = #tpu.reduction_kind<sum>} : vector<16xi1> -> vector<16xi32>
      %sub3A_634 = arith.constant 16 : i32
      %sub3A_635 = vector.broadcast %sub3A_634 : i32 to vector<16xi32>
      %sub3A_636 = arith.subi %sub3A_635, %all_reduce_population_count3A : vector<16xi32>
      %add3A_637 = arith.addi %scan3A_107, %sub3A_636 : vector<16xi32>
      scf.yield %add3A_637 : vector<16xi32>
    }
    %scan3A_8 = arith.constant 16 : i32
    %reduce_max3A = arith.constant true
    %reduce_max3A_9 = vector.broadcast %reduce_max3A : i1 to vector<16xi1>
    %reduce_max3A_10 = arith.constant -2147483648 : i32
    %reduce_max3A_11 = vector.broadcast %reduce_max3A_10 : i32 to vector<16xi32>
    %reduce_max3A_12 = arith.xori %scan3A_7, %reduce_max3A_11 : vector<16xi32>
    %reduce_max3A_13 = tpu.scan <max>, %reduce_max3A_12 masked %reduce_max3A_9 : vector<16xi32>, vector<16xi1> -> vector<16xi32>
    %reduce_max3A_14 = arith.xori %reduce_max3A_13, %reduce_max3A_11 : vector<16xi32>
    %reduce_max3A_15 = vector.extract %reduce_max3A_14[15] : i32 from vector<16xi32>
    %add3A_16 = arith.constant 1515257856 : i32
    %add3A_17 = vector.broadcast %add3A_16 : i32 to vector<16xi32>
    %add3A_18 = arith.addi %scan3A_7, %add3A_17 : vector<16xi32>
    %swap3A = arith.constant 0 : index
    %swap3A_19 = tpu.vector_load %arg8[%swap3A] {strides = array<i32>} : memref<16xi32, #tpu.memory_space<vmem>>, vector<16xi32>,
    tpu.vector_store %arg8[%swap3A], %add3A_18 {strides = array<i32>} : memref<16xi32, #tpu.memory_space<vmem>>, vector<16xi32>,
    "tpu.region"() ({
      %run_scoped3A = tpu.sem_alloc : memref<!tpu.dma_semaphore, #tpu.memory_space<semaphore_mem>>
      %dma_start3A_106 = arith.constant 0 : i32
      %dma_start3A_107 = tpu.memref_slice %arg4[%add3A, %dma_start3A_106] : memref<32x16xi32, #tpu.memory_space<hbm>> -> memref<1x16xi32, #tpu.memory_space<hbm>>
      %dma_start3A_108 = tpu.memref_squeeze %dma_start3A_107 : memref<1x16xi32, #tpu.memory_space<hbm>> -> memref<16xi32, #tpu.memory_space<hbm>>
      %dma_start3A_109 = arith.constant 0 : i32
      %dma_start3A_110 = tpu.memref_slice %arg4[%add3A, %dma_start3A_109] : memref<32x16xi32, #tpu.memory_space<hbm>> -> memref<1x16xi32, #tpu.memory_space<hbm>>
      %dma_start3A_111 = tpu.memref_squeeze %dma_start3A_110 : memref<1x16xi32, #tpu.memory_space<hbm>> -> memref<16xi32, #tpu.memory_space<hbm>>
      tpu.enqueue_dma source(%arg8 : memref<16xi32, #tpu.memory_space<vmem>>) target(%dma_start3A_111 : memref<16xi32, #tpu.memory_space<hbm>>) target_semaphore(%run_scoped3A : memref<!tpu.dma_semaphore, #tpu.memory_space<semaphore_mem>>)
      %dma_wait3A_112 = arith.constant 0 : i32
      %dma_wait3A_113 = tpu.memref_slice %arg4[%add3A, %dma_wait3A_112] : memref<32x16xi32, #tpu.memory_space<hbm>> -> memref<1x16xi32, #tpu.memory_space<hbm>>
      %dma_wait3A_114 = tpu.memref_squeeze %dma_wait3A_113 : memref<1x16xi32, #tpu.memory_space<hbm>> -> memref<16xi32, #tpu.memory_space<hbm>>
      %dma_wait3A_115 = arith.constant 0 : i32
      %dma_wait3A_116 = tpu.memref_slice %arg4[%add3A, %dma_wait3A_115] : memref<32x16xi32, #tpu.memory_space<hbm>> -> memref<1x16xi32, #tpu.memory_space<hbm>>
      %dma_wait3A_117 = tpu.memref_squeeze %dma_wait3A_116 : memref<1x16xi32, #tpu.memory_space<hbm>> -> memref<16xi32, #tpu.memory_space<hbm>>
      tpu.wait_dma2 semaphore(%run_scoped3A : memref<!tpu.dma_semaphore, #tpu.memory_space<semaphore_mem>>) src(%arg8 : memref<16xi32, #tpu.memory_space<vmem>>) dst(%dma_wait3A_117 : memref<16xi32, #tpu.memory_space<hbm>>)
      tpu.yield
    }) : () -> ()
    %lt3A = arith.constant 256 : i32
    %lt3A_20 = arith.cmpi slt, %reduce_max3A_15, %lt3A : i32
    %convert_element_type3A = arith.extui %lt3A_20 : i1 to i32
    %cond3A = arith.constant 0 : i32
    %cond3A_21 = arith.cmpi ne, %convert_element_type3A, %cond3A : i32
    scf.if %cond3A_21 {
      %broadcast_in_dim3A_106 = arith.constant 0x7FC00000 : f32
      %broadcast_in_dim3A_107 = vector.broadcast %broadcast_in_dim3A_106 : f32 to vector<16xf32>
      %scan3A_108 = arith.constant 0 : i32
      %scan3A_109 = arith.constant 0 : i32
      %scan3A_110 = arith.constant 16 : i32
      %scan3A_111 = arith.addi %scan3A_109, %scan3A_110 : i32
      %scan3A_112 = arith.constant 1 : i32
      scf.for %scan3A_114 = %scan3A_109 to %scan3A_111 step %scan3A_112  : i32 {
        %mul3A_115 = arith.constant 16 : i32
        %mul3A_116 = arith.muli %scan3A_114, %mul3A_115 : i32
        %add3A_117 = vector.broadcast %mul3A_116 : i32 to vector<16xi32>
        %add3A_118 = arith.addi %add3A_117, %iota3A : vector<16xi32>
        %mul3A_119 = arith.constant 16 : i32
        %mul3A_120 = arith.muli %scan3A_114, %mul3A_119 : i32
        %get3A = arith.index_cast %mul3A_120 : i32 to index
        %get3A_121 = tpu.vector_load %arg6[%get3A] {strides = array<i32>} : memref<256xi32, #tpu.memory_space<vmem>>, vector<16xi32>,
        %gt3A = arith.constant 0 : i32
        %gt3A_122 = vector.broadcast %gt3A : i32 to vector<16xi32>
        %gt3A_123 = arith.cmpi sgt, %get3A_121, %gt3A_122 : vector<16xi32>
        %scan3A_124 = arith.constant 0 : i32
        %scan3A_125 = arith.constant 64 : i32
        %scan3A_126 = arith.addi %scan3A_124, %scan3A_125 : i32
        %scan3A_127 = arith.constant 1 : i32
        scf.for %scan3A_129 = %scan3A_124 to %scan3A_126 step %scan3A_127  : i32 {
          %broadcast_in_dim3A_130 = arith.constant 0 : i32
          %broadcast_in_dim3A_131 = vector.broadcast %broadcast_in_dim3A_130 : i32 to vector<16xi32>
          %add3A_132 = vector.broadcast %scan3A_129 : i32 to vector<16xi32>
          %add3A_133 = arith.addi %broadcast_in_dim3A_131, %add3A_132 : vector<16xi32>
          tpu.vector_store_idx %arg5[%add3A_118, %add3A_133], %broadcast_in_dim3A_107 masked %gt3A_123 : memref<256x64xf32, #tpu.memory_space<vmem>>[vector<16xi32>, vector<16xi32>], vector<16xf32>, vector<16xi1>
        }
        %scan3A_128 = arith.constant 64 : i32
      }
      %scan3A_113 = arith.constant 16 : i32
    } else {
    }
    %broadcast_in_dim3A_22 = arith.constant 0 : i32
    %broadcast_in_dim3A_23 = vector.broadcast %broadcast_in_dim3A_22 : i32 to vector<16xi32>
    %while3A = arith.constant 0 : i32
    %while3A_24:3 = scf.while (%while3A_106 = %while3A, %while3A_107 = %broadcast_in_dim3A_23, %while3A_108 = %broadcast_in_dim3A_23) : (i32, vector<16xi32>, vector<16xi32>) -> (i32, vector<16xi32>, vector<16xi32>) {
      %eq3A = arith.constant 0 : i32
      %eq3A_109 = arith.cmpi eq, %while3A_106, %eq3A : i32
      scf.condition(%eq3A_109) %while3A_106, %while3A_107, %while3A_108 : i32, vector<16xi32>, vector<16xi32>
    } do {
    ^bb0(%while3A_106: i32, %while3A_107: vector<16xi32>, %while3A_108: vector<16xi32>):
      "tpu.region"() ({
        %run_scoped3A = tpu.sem_alloc : memref<!tpu.dma_semaphore, #tpu.memory_space<semaphore_mem>>
        tpu.enqueue_dma source(%arg4 : memref<32x16xi32, #tpu.memory_space<hbm>>) target(%arg9 : memref<32x16xi32, #tpu.memory_space<vmem>>) target_semaphore(%run_scoped3A : memref<!tpu.dma_semaphore, #tpu.memory_space<semaphore_mem>>)
        tpu.wait_dma2 semaphore(%run_scoped3A : memref<!tpu.dma_semaphore, #tpu.memory_space<semaphore_mem>>) src(%arg4 : memref<32x16xi32, #tpu.memory_space<hbm>>) dst(%arg9 : memref<32x16xi32, #tpu.memory_space<vmem>>)
        tpu.yield
      }) : () -> ()
      %gather3A = tpu.vector_load_idx %arg9[%iota3A, %broadcast_in_dim3A_23] : memref<32x16xi32, #tpu.memory_space<vmem>>[vector<16xi32>, vector<16xi32>], vector<16xi32>,
      %add3A_109 = arith.constant 16 : i32
      %add3A_110 = vector.broadcast %add3A_109 : i32 to vector<16xi32>
      %add3A_111 = arith.addi %iota3A, %add3A_110 : vector<16xi32>
      %gather3A_112 = tpu.vector_load_idx %arg9[%add3A_111, %broadcast_in_dim3A_23] : memref<32x16xi32, #tpu.memory_space<vmem>>[vector<16xi32>, vector<16xi32>], vector<16xi32>,
      %and3A_113 = arith.constant -65536 : i32
      %and3A_114 = vector.broadcast %and3A_113 : i32 to vector<16xi32>
      %and3A_115 = arith.andi %gather3A, %and3A_114 : vector<16xi32>
      %eq3A = arith.constant 1515257856 : i32
      %eq3A_116 = vector.broadcast %eq3A : i32 to vector<16xi32>
      %eq3A_117 = arith.cmpi eq, %and3A_115, %eq3A_116 : vector<16xi32>
      %jit3A_118 = arith.constant 1 : i32
      %jit3A_119 = arith.constant 0 : i32
      %broadcast_in_dim3A_120 = vector.broadcast %jit3A_118 : i32 to vector<16xi32>
      %broadcast_in_dim3A_121 = vector.broadcast %jit3A_119 : i32 to vector<16xi32>
      %select_n3A_122 = arith.select %eq3A_117, %broadcast_in_dim3A_120, %broadcast_in_dim3A_121 : vector<16xi1>, vector<16xi32>
      %and3A_123 = arith.constant -65536 : i32
      %and3A_124 = vector.broadcast %and3A_123 : i32 to vector<16xi32>
      %and3A_125 = arith.andi %gather3A_112, %and3A_124 : vector<16xi32>
      %eq3A_126 = arith.constant 1515257856 : i32
      %eq3A_127 = vector.broadcast %eq3A_126 : i32 to vector<16xi32>
      %eq3A_128 = arith.cmpi eq, %and3A_125, %eq3A_127 : vector<16xi32>
      %jit3A_129 = arith.constant 1 : i32
      %jit3A_130 = arith.constant 0 : i32
      %broadcast_in_dim3A_131 = vector.broadcast %jit3A_129 : i32 to vector<16xi32>
      %broadcast_in_dim3A_132 = vector.broadcast %jit3A_130 : i32 to vector<16xi32>
      %select_n3A_133 = arith.select %eq3A_128, %broadcast_in_dim3A_131, %broadcast_in_dim3A_132 : vector<16xi1>, vector<16xi32>
      %min3A_134 = arith.minsi %select_n3A_122, %select_n3A_133 : vector<16xi32>
      %reduce_min3A = arith.constant true
      %reduce_min3A_135 = vector.broadcast %reduce_min3A : i1 to vector<16xi1>
      %reduce_min3A_136 = arith.constant -2147483648 : i32
      %reduce_min3A_137 = vector.broadcast %reduce_min3A_136 : i32 to vector<16xi32>
      %reduce_min3A_138 = arith.xori %min3A_134, %reduce_min3A_137 : vector<16xi32>
      %reduce_min3A_139 = tpu.scan <min>, %reduce_min3A_138 masked %reduce_min3A_135 : vector<16xi32>, vector<16xi1> -> vector<16xi32>
      %reduce_min3A_140 = arith.xori %reduce_min3A_139, %reduce_min3A_137 : vector<16xi32>
      %reduce_min3A_141 = vector.extract %reduce_min3A_140[15] : i32 from vector<16xi32>
      scf.yield %reduce_min3A_141, %gather3A, %gather3A_112 : i32, vector<16xi32>, vector<16xi32>
    }
    %and3A = arith.constant 65535 : i32
    %and3A_25 = vector.broadcast %and3A : i32 to vector<16xi32>
    %and3A_26 = arith.andi %while3A_24#1, %and3A_25 : vector<16xi32>
    %and3A_27 = arith.constant 65535 : i32
    %and3A_28 = vector.broadcast %and3A_27 : i32 to vector<16xi32>
    %and3A_29 = arith.andi %while3A_24#2, %and3A_28 : vector<16xi32>
    %reduce_sum3A = arith.constant true
    %reduce_sum3A_30 = vector.broadcast %reduce_sum3A : i1 to vector<16xi1>
    %reduce_sum3A_31 = tpu.scan <sum>, %and3A_26 masked %reduce_sum3A_30 : vector<16xi32>, vector<16xi1> -> vector<16xi32>
    %reduce_sum3A_32 = vector.extract %reduce_sum3A_31[15] : i32 from vector<16xi32>
    %reduce_sum3A_33 = arith.constant true
    %reduce_sum3A_34 = vector.broadcast %reduce_sum3A_33 : i1 to vector<16xi1>
    %reduce_sum3A_35 = tpu.scan <sum>, %and3A_29 masked %reduce_sum3A_34 : vector<16xi32>, vector<16xi1> -> vector<16xi32>
    %reduce_sum3A_36 = vector.extract %reduce_sum3A_35[15] : i32 from vector<16xi32>
    %add3A_37 = arith.addi %reduce_sum3A_32, %reduce_sum3A_36 : i32
    %min3A = arith.constant 16 : i32
    %min3A_38 = arith.minsi %add3A, %min3A : i32
    %lt3A_39 = vector.broadcast %min3A_38 : i32 to vector<16xi32>
    %lt3A_40 = arith.cmpi slt, %iota3A, %lt3A_39 : vector<16xi32>
    %jit3A = arith.constant 0 : i32
    %broadcast_in_dim3A_41 = vector.broadcast %jit3A : i32 to vector<16xi32>
    %select_n3A = arith.select %lt3A_40, %and3A_26, %broadcast_in_dim3A_41 : vector<16xi1>, vector<16xi32>
    %reduce_sum3A_42 = arith.constant true
    %reduce_sum3A_43 = vector.broadcast %reduce_sum3A_42 : i1 to vector<16xi1>
    %reduce_sum3A_44 = tpu.scan <sum>, %select_n3A masked %reduce_sum3A_43 : vector<16xi32>, vector<16xi1> -> vector<16xi32>
    %reduce_sum3A_45 = vector.extract %reduce_sum3A_44[15] : i32 from vector<16xi32>
    %add3A_46 = arith.constant 16 : i32
    %add3A_47 = vector.broadcast %add3A_46 : i32 to vector<16xi32>
    %add3A_48 = arith.addi %iota3A, %add3A_47 : vector<16xi32>
    %lt3A_49 = vector.broadcast %add3A : i32 to vector<16xi32>
    %lt3A_50 = arith.cmpi slt, %add3A_48, %lt3A_49 : vector<16xi32>
    %jit3A_51 = arith.constant 0 : i32
    %broadcast_in_dim3A_52 = vector.broadcast %jit3A_51 : i32 to vector<16xi32>
    %select_n3A_53 = arith.select %lt3A_50, %and3A_29, %broadcast_in_dim3A_52 : vector<16xi1>, vector<16xi32>
    %reduce_sum3A_54 = arith.constant true
    %reduce_sum3A_55 = vector.broadcast %reduce_sum3A_54 : i1 to vector<16xi1>
    %reduce_sum3A_56 = tpu.scan <sum>, %select_n3A_53 masked %reduce_sum3A_55 : vector<16xi32>, vector<16xi1> -> vector<16xi32>
    %reduce_sum3A_57 = vector.extract %reduce_sum3A_56[15] : i32 from vector<16xi32>
    %add3A_58 = arith.addi %reduce_sum3A_45, %reduce_sum3A_57 : i32
    %sub3A = arith.subi %mul3A_2, %add3A_58 : i32
    %add3A_59 = arith.addi %add3A_37, %sub3A : i32
    %broadcast_in_dim3A_60 = arith.constant 0 : i32
    %broadcast_in_dim3A_61 = vector.broadcast %broadcast_in_dim3A_60 : i32 to vector<16xi32>
    %scan3A_62 = arith.constant 0 : i32
    %scan3A_63 = arith.constant 16 : i32
    %scan3A_64 = arith.addi %scan3A_62, %scan3A_63 : i32
    %scan3A_65 = arith.constant 1 : i32
    %scan3A_66 = scf.for %scan3A_106 = %scan3A_62 to %scan3A_64 step %scan3A_65 iter_args(%scan3A_107 = %broadcast_in_dim3A_61) -> (vector<16xi32>)  : i32 {
      %mul3A_108 = arith.constant 16 : i32
      %mul3A_109 = arith.muli %scan3A_106, %mul3A_108 : i32
      %get3A = arith.index_cast %mul3A_109 : i32 to index
      %get3A_110 = tpu.vector_load %arg6[%get3A] {strides = array<i32>} : memref<256xi32, #tpu.memory_space<vmem>>, vector<16xi32>,
      %sub3A_111 = arith.constant 1 : i32
      %sub3A_112 = vector.broadcast %sub3A_111 : i32 to vector<16xi32>
      %sub3A_113 = arith.subi %sub3A_112, %get3A_110 : vector<16xi32>
      %broadcast_in_dim3A_114 = arith.constant true
      %broadcast_in_dim3A_115 = vector.broadcast %broadcast_in_dim3A_114 : i1 to vector<16xi1>
      %masked_cumsum3A = tpu.scan <sum>, %sub3A_113 masked %broadcast_in_dim3A_115 : vector<16xi32>, vector<16xi1> -> vector<16xi32>
      %sub3A_116 = arith.subi %masked_cumsum3A, %sub3A_113 : vector<16xi32>
      %add3A_117 = arith.addi %sub3A_116, %scan3A_107 : vector<16xi32>
      %mul3A_118 = arith.constant 16 : i32
      %mul3A_119 = arith.muli %scan3A_106, %mul3A_118 : i32
      %add3A_120 = vector.broadcast %mul3A_119 : i32 to vector<16xi32>
      %add3A_121 = arith.addi %add3A_120, %iota3A : vector<16xi32>
      %gt3A = arith.constant 0 : i32
      %gt3A_122 = vector.broadcast %gt3A : i32 to vector<16xi32>
      %gt3A_123 = arith.cmpi sgt, %get3A_110, %gt3A_122 : vector<16xi32>
      %sub3A_124 = arith.subi %add3A_121, %add3A_117 : vector<16xi32>
      %add3A_125 = vector.broadcast %add3A_59 : i32 to vector<16xi32>
      %add3A_126 = arith.addi %add3A_125, %sub3A_124 : vector<16xi32>
      %add3A_127 = vector.broadcast %add3A_58 : i32 to vector<16xi32>
      %add3A_128 = arith.addi %add3A_127, %add3A_117 : vector<16xi32>
      %select_n3A_129 = arith.select %gt3A_123, %add3A_126, %add3A_128 : vector<16xi1>, vector<16xi32>
      %jit3A_130 = arith.constant 0 : i32
      %jit3A_131 = arith.constant 8191 : i32
      %max3A = vector.broadcast %jit3A_130 : i32 to vector<16xi32>
      %max3A_132 = arith.maxsi %max3A, %select_n3A_129 : vector<16xi32>
      %min3A_133 = vector.broadcast %jit3A_131 : i32 to vector<16xi32>
      %min3A_134 = arith.minsi %min3A_133, %max3A_132 : vector<16xi32>
      %jit3A_135 = arith.constant 8 : i32
      %div3A = arith.divsi %scan3A_106, %jit3A_135 : i32
      %sign3A = arith.constant 0 : i32
      %sign3A_136 = arith.cmpi sgt, %scan3A_106, %sign3A : i32
      %sign3A_137 = arith.extui %sign3A_136 : i1 to i32
      %sign3A_138 = arith.constant 0 : i32
      %sign3A_139 = arith.cmpi slt, %scan3A_106, %sign3A_138 : i32
      %sign3A_140 = arith.extui %sign3A_139 : i1 to i32
      %sign3A_141 = arith.subi %sign3A_137, %sign3A_140 : i32
      %sign3A_142 = arith.constant 0 : i32
      %sign3A_143 = arith.cmpi sgt, %jit3A_135, %sign3A_142 : i32
      %sign3A_144 = arith.extui %sign3A_143 : i1 to i32
      %sign3A_145 = arith.constant 0 : i32
      %sign3A_146 = arith.cmpi slt, %jit3A_135, %sign3A_145 : i32
      %sign3A_147 = arith.extui %sign3A_146 : i1 to i32
      %sign3A_148 = arith.subi %sign3A_144, %sign3A_147 : i32
      %ne3A = arith.cmpi ne, %sign3A_141, %sign3A_148 : i32
      %rem3A = arith.remsi %scan3A_106, %jit3A_135 : i32
      %ne3A_149 = arith.constant 0 : i32
      %ne3A_150 = arith.cmpi ne, %rem3A, %ne3A_149 : i32
      %and3A_151 = arith.andi %ne3A, %ne3A_150 : i1
      %sub3A_152 = arith.constant 1 : i32
      %sub3A_153 = arith.subi %div3A, %sub3A_152 : i32
      %select_n3A_154 = arith.select %and3A_151, %sub3A_153, %div3A : i32
      %jit3A_155 = arith.constant 8 : i32
      %eq3A = arith.constant 0 : i32
      %eq3A_156 = arith.cmpi eq, %jit3A_155, %eq3A : i32
      %jit3A_157 = arith.constant 1 : i32
      %select_n3A_158 = arith.select %eq3A_156, %jit3A_157, %jit3A_155 : i32
      %rem3A_159 = arith.remsi %scan3A_106, %select_n3A_158 : i32
      %ne3A_160 = arith.constant 0 : i32
      %ne3A_161 = arith.cmpi ne, %rem3A_159, %ne3A_160 : i32
      %lt3A_162 = arith.constant 0 : i32
      %lt3A_163 = arith.cmpi slt, %rem3A_159, %lt3A_162 : i32
      %lt3A_164 = arith.constant 0 : i32
      %lt3A_165 = arith.cmpi slt, %select_n3A_158, %lt3A_164 : i32
      %ne3A_166 = arith.xori %lt3A_163, %lt3A_165 : i1
      %and3A_167 = arith.andi %ne3A_166, %ne3A_161 : i1
      %add3A_168 = arith.addi %rem3A_159, %select_n3A_158 : i32
      %select_n3A_169 = arith.select %and3A_167, %add3A_168, %rem3A_159 : i32
      %mul3A_170 = arith.constant 16 : i32
      %mul3A_171 = arith.muli %select_n3A_169, %mul3A_170 : i32
      %swap3A_172 = arith.index_cast %select_n3A_154 : i32 to index
      %swap3A_173 = arith.index_cast %mul3A_171 : i32 to index
      %swap3A_174 = tpu.vector_load %arg7[%swap3A_172, %swap3A_173] {strides = array<i32>} : memref<2x128xi32, #tpu.memory_space<vmem>>, vector<16xi32>,
      tpu.vector_store %arg7[%swap3A_172, %swap3A_173], %min3A_134 {strides = array<i32>} : memref<2x128xi32, #tpu.memory_space<vmem>>, vector<16xi32>,
      %gt3A_175 = arith.constant 0 : i32
      %gt3A_176 = vector.broadcast %gt3A_175 : i32 to vector<16xi32>
      %gt3A_177 = arith.cmpi sgt, %sub3A_113, %gt3A_176 : vector<16xi32>
      %all_reduce_population_count3A = tpu.all_reduce %gt3A_177 {dim = 0 : i64, kind = #tpu.reduction_kind<sum>} : vector<16xi1> -> vector<16xi32>
      %add3A_178 = arith.addi %scan3A_107, %all_reduce_population_count3A : vector<16xi32>
      scf.yield %add3A_178 : vector<16xi32>
    }
    %scan3A_67 = arith.constant 16 : i32
    %dma_start3A = arith.constant 0 : i32
    %dma_start3A_68 = arith.constant 0 : i32
    %dma_start3A_69 = arith.constant 0 : i32
    %dma_start3A_70 = tpu.memref_slice %arg5[%dma_start3A_68, %dma_start3A_69] : memref<256x64xf32, #tpu.memory_space<vmem>> -> memref<128x64xf32, #tpu.memory_space<vmem>>
    %dma_start3A_71 = arith.constant 0 : i32
    %dma_start3A_72 = tpu.memref_slice %arg7[%dma_start3A, %dma_start3A_71] : memref<2x128xi32, #tpu.memory_space<vmem>> -> memref<1x128xi32, #tpu.memory_space<vmem>>
    %dma_start3A_73 = tpu.memref_squeeze %dma_start3A_72 : memref<1x128xi32, #tpu.memory_space<vmem>> -> memref<128xi32, #tpu.memory_space<vmem>>
    %dma_start3A_74 = arith.constant 0 : i32
    %dma_start3A_75 = arith.constant 0 : i32
    %dma_start3A_76 = tpu.memref_slice %arg3[%dma_start3A_74, %dma_start3A_75] : memref<8192x64xf32, #tpu.memory_space<hbm>> -> memref<8192x64xf32, #tpu.memory_space<hbm>>
    tpu.enqueue_indirect_dma source(%dma_start3A_70 : memref<128x64xf32, #tpu.memory_space<vmem>>) target(%dma_start3A_76 : memref<8192x64xf32, #tpu.memory_space<hbm>>) offsets(%dma_start3A_73 : memref<128xi32, #tpu.memory_space<vmem>>) semaphore(%arg10 : memref<!tpu.dma_semaphore, #tpu.memory_space<semaphore_mem>>)
    %dma_start3A_77 = arith.constant 1 : i32
    %dma_start3A_78 = arith.constant 128 : i32
    %dma_start3A_79 = arith.constant 0 : i32
    %dma_start3A_80 = tpu.memref_slice %arg5[%dma_start3A_78, %dma_start3A_79] : memref<256x64xf32, #tpu.memory_space<vmem>> -> memref<128x64xf32, #tpu.memory_space<vmem>>
    %dma_start3A_81 = arith.constant 0 : i32
    %dma_start3A_82 = tpu.memref_slice %arg7[%dma_start3A_77, %dma_start3A_81] : memref<2x128xi32, #tpu.memory_space<vmem>> -> memref<1x128xi32, #tpu.memory_space<vmem>>
    %dma_start3A_83 = tpu.memref_squeeze %dma_start3A_82 : memref<1x128xi32, #tpu.memory_space<vmem>> -> memref<128xi32, #tpu.memory_space<vmem>>
    %dma_start3A_84 = arith.constant 0 : i32
    %dma_start3A_85 = arith.constant 0 : i32
    %dma_start3A_86 = tpu.memref_slice %arg3[%dma_start3A_84, %dma_start3A_85] : memref<8192x64xf32, #tpu.memory_space<hbm>> -> memref<8192x64xf32, #tpu.memory_space<hbm>>
    tpu.enqueue_indirect_dma source(%dma_start3A_80 : memref<128x64xf32, #tpu.memory_space<vmem>>) target(%dma_start3A_86 : memref<8192x64xf32, #tpu.memory_space<hbm>>) offsets(%dma_start3A_83 : memref<128xi32, #tpu.memory_space<vmem>>) semaphore(%arg10 : memref<!tpu.dma_semaphore, #tpu.memory_space<semaphore_mem>>)
    %dma_wait3A = arith.constant 0 : i32
    %dma_wait3A_87 = arith.constant 0 : i32
    %dma_wait3A_88 = arith.constant 0 : i32
    %dma_wait3A_89 = tpu.memref_slice %arg5[%dma_wait3A_87, %dma_wait3A_88] : memref<256x64xf32, #tpu.memory_space<vmem>> -> memref<128x64xf32, #tpu.memory_space<vmem>>
    %dma_wait3A_90 = arith.constant 0 : i32
    %dma_wait3A_91 = tpu.memref_slice %arg7[%dma_wait3A, %dma_wait3A_90] : memref<2x128xi32, #tpu.memory_space<vmem>> -> memref<1x128xi32, #tpu.memory_space<vmem>>
    %dma_wait3A_92 = tpu.memref_squeeze %dma_wait3A_91 : memref<1x128xi32, #tpu.memory_space<vmem>> -> memref<128xi32, #tpu.memory_space<vmem>>
    %dma_wait3A_93 = arith.constant 0 : i32
    %dma_wait3A_94 = arith.constant 0 : i32
    %dma_wait3A_95 = tpu.memref_slice %arg3[%dma_wait3A_93, %dma_wait3A_94] : memref<8192x64xf32, #tpu.memory_space<hbm>> -> memref<8192x64xf32, #tpu.memory_space<hbm>>
    tpu.wait_indirect_dma semaphore(%arg10 : memref<!tpu.dma_semaphore, #tpu.memory_space<semaphore_mem>>) src(%dma_wait3A_89 : memref<128x64xf32, #tpu.memory_space<vmem>>) dst(%dma_wait3A_95 : memref<8192x64xf32, #tpu.memory_space<hbm>>)
    %dma_wait3A_96 = arith.constant 1 : i32
    %dma_wait3A_97 = arith.constant 128 : i32
    %dma_wait3A_98 = arith.constant 0 : i32
    %dma_wait3A_99 = tpu.memref_slice %arg5[%dma_wait3A_97, %dma_wait3A_98] : memref<256x64xf32, #tpu.memory_space<vmem>> -> memref<128x64xf32, #tpu.memory_space<vmem>>
    %dma_wait3A_100 = arith.constant 0 : i32
    %dma_wait3A_101 = tpu.memref_slice %arg7[%dma_wait3A_96, %dma_wait3A_100] : memref<2x128xi32, #tpu.memory_space<vmem>> -> memref<1x128xi32, #tpu.memory_space<vmem>>
    %dma_wait3A_102 = tpu.memref_squeeze %dma_wait3A_101 : memref<1x128xi32, #tpu.memory_space<vmem>> -> memref<128xi32, #tpu.memory_space<vmem>>
    %dma_wait3A_103 = arith.constant 0 : i32
    %dma_wait3A_104 = arith.constant 0 : i32
    %dma_wait3A_105 = tpu.memref_slice %arg3[%dma_wait3A_103, %dma_wait3A_104] : memref<8192x64xf32, #tpu.memory_space<hbm>> -> memref<8192x64xf32, #tpu.memory_space<hbm>>
    tpu.wait_indirect_dma semaphore(%arg10 : memref<!tpu.dma_semaphore, #tpu.memory_space<semaphore_mem>>) src(%dma_wait3A_99 : memref<128x64xf32, #tpu.memory_space<vmem>>) dst(%dma_wait3A_105 : memref<8192x64xf32, #tpu.memory_space<hbm>>)
    return
  }
}

</mosaic_0001>

<sc_bundles>
// kernel: kernel.3.cloned.1.call-start
scs
__scs_entry_jumppad:
0x0: {  	(pc) =	sbr.rel $0x88, $3  }
0x1: {  	(tag) =	ssettag $0x0;
	lr =	simm.s32 $0x1  }
0x2: {  	[smem:$0x3FA0] =	sst lr;
	_ =	strace $0xD0000000  }
0x3: {  	_ = 	snop  }
0x4: {  	_ = 	snop  }
0x5: {  	_ = 	snop  }
0x6: {  	_ = 	snop  }
0x7: {  	_ = 	snop  }
__scs_overlays_trampoline_lowered:
0x8: {  	[smem:$0x3FAF] =	sst s0  }
0x9: {  	[smem:$0x3FB0] =	sst s1  }
0xa: {  	[smem:$0x3FB1] =	sst s2  }
0xb: {  	[smem:$0x3FB2] =	sst s3  }
0xc: {  	[smem:$0x3FB3] =	sst s4  }
0xd: {  	[smem:$0x3FB4] =	sst s5  }
0xe: {  	[smem:$0x3FB5] =	sst s6  }
0xf: {  	[smem:$0x3FB6] =	sst s7  }
0x10: {  	[smem:$0x3FB7] =	sst s8  }
0x11: {  	[smem:$0x3FB8] =	sst s9;
	s0 =	simm.s32 @!p0 $0x0  }
0x12: {  	s1 =	sld [smem:$0x3F9E];
	s0 =	simm.s32 @p0 $0x1  }
0x13: {  	[smem:$0x3FB9] =	sst s0;
	s0 =	simm.s32 @!p1 $0x0  }
0x14: {  	s2 =	sld [smem:$0x3F9D];
	s0 =	simm.s32 @p1 $0x1  }
0x15: {  	[smem:$0x3FBA] =	sst s0;
	s0 =	simm.s32 @!p2 $0x0  }
0x16: {  	s3 =	sld [smem:$0x3FDB];
	s0 =	simm.s32 @p2 $0x1  }
0x17: {  	s4 =	simm.s32 $0x1BF5;
	[smem:$0x3FBC] =	sst s0  }
0x18: {  	s0 =	sld [smem:$0x3F9F];
	_ =	swait.ge [sflag:s4], $0x0  }
0x19: {  	s7 =	sld [smem:$0x3FA0]  }
0x1a: {  	s8 =	sadd.s32 $0xFFFFE003, lr  }
0x1b: {  	s9 =	sadd.s32 $0xFFFFFEF7, lr;
	s5 =	simm.s32 $0xFFFFFFFF;
	p2 =	slt.u32 s8, $0xFFFFF086  }
0x1c: {  	p1 =	slt.u32 s9, $0xF7A;
	s5 =	simm.s32 @!p2 $0x0  }
0x1d: {  	s5 =	simm.s32 @p1 $0x1;
	p0 =	seq.s32 s7, s2  }
0x1e: {  	s7 =	smul.u32 @!p0 $0xF7A, s2;
	p2 =	seq.s32 @!p0 s5, $0x0  }
0x1f: {  	s9 =	smul.u32 $0xF7A, s1;
	s8 =	simm.s32 @!p0 $0x1BF5;
	p2 =	por !p2, p0  }
0x20: {  	[sflag:s8] =	ssyncset.s32 @!p0 $0xFFFFF086;
	s6 =	sadd.s32 @!p0 s3, s7;
	s7 =	simm.s32 @!p0 $0x108  }
0x21: {  	s3 =	sadd.s32 s3, s9;
	s6 =	sadd.s32 @!p0 $0x88, s6;
	s7 =	simm.s32 @p2 $0x1082  }
0x22: {  	[simem:s7], [sflag:s8] =	dma.local @!p0 [hbm:s6], $0xF7A  }
0x23: {  	s9 =	sor.u32 $0xD0000000, s2;
	s6 =	simm.s32 $0x108;
	_ =	swait.ge @!p0 [sflag:s8], $0x0  }
0x24: {  	s3 =	sadd.s32 $0x88, s3;
	s6 =	simm.s32 @!p1 $0x1082;
	[sflag:s4] =	ssyncset.s32 $0xFFFFF086  }
0x25: {  	[simem:s6], [sflag:s4] =	dma.local [hbm:s3], $0xF7A  }
0x26: {  	[smem:$0x3FA0] =	sst s1;
	(tag) =	ssettag s2;
	_ =	strace s9  }
0x27: {  	s1 =	sld [smem:$0x3FB0]  }
0x28: {  	s2 =	sld [smem:$0x3FB1]  }
0x29: {  	s4 =	sld [smem:$0x3FB3]  }
0x2a: {  	p0 =	seq.s32 s5, $0x0;
	s5 =	sld [smem:$0x3FB4]  }
0x2b: {  	s6 =	sld [smem:$0x3FB5]  }
0x2c: {  	s7 =	sld [smem:$0x3FB6]  }
0x2d: {  	s3 =	simm.s32 $0x108;
	s8 =	sld [smem:$0x3FB7]  }
0x2e: {  	s3 =	simm.s32 @!p0 $0x1082;
	s9 =	sld [smem:$0x3FB8]  }
0x2f: {  	lr =	sadd.s32 s0, s3;
	s0 =	sld [smem:$0x3FAF]  }
0x30: {  	s3 =	sld [smem:$0x3FB2]  }
0x31: {  	[smem:$0x3FBB] =	sst s10  }
0x32: {  	s10 =	sld [smem:$0x3FB9];
	_ =	sdelay $0x3  }
0x33: {  	p0 =	seq.s32 s10, $0x1;
	s10 =	sld [smem:$0x3FBB];
	_ =	sdelay $0x3  }
0x34: {  	[smem:$0x3FBB] =	sst s10  }
0x35: {  	s10 =	sld [smem:$0x3FBA];
	_ =	sdelay $0x3  }
0x36: {  	p1 =	seq.s32 s10, $0x1;
	s10 =	sld [smem:$0x3FBB];
	_ =	sdelay $0x3  }
0x37: {  	[smem:$0x3FBB] =	sst s10  }
0x38: {  	s10 =	sld [smem:$0x3FBC]  }
0x39: {  	_ = 	snop;
	(pc) =	sbr.ind lr, $3  }
0x3a: {  	_ = 	snop  }
0x3b: {  	_ = 	snop  }
0x3c: {  	p2 =	seq.s32 s10, $0x1;
	s10 =	sld [smem:$0x3FBB]  }
0x3d: {  	_ =	shalt  }
0x3e: {  	_ =	shalt  }
0x3f: {  	_ =	shalt  }
0x40: {  	_ =	shalt  }
0x41: {  	_ =	shalt  }
0x42: {  	_ =	shalt  }
0x43: {  	_ =	shalt  }
0x44: {  	_ =	shalt  }
0x45: {  	_ =	shalt  }
0x46: {  	_ =	shalt  }
0x47: {  	_ =	shalt  }
0x48: {  	_ =	shalt  }
0x49: {  	_ =	shalt  }
0x4a: {  	_ =	shalt  }
0x4b: {  	_ =	shalt  }
0x4c: {  	_ =	shalt  }
0x4d: {  	_ =	shalt  }
0x4e: {  	_ =	shalt  }
0x4f: {  	_ =	shalt  }
0x50: {  	_ =	shalt  }
0x51: {  	_ =	shalt  }
0x52: {  	_ =	shalt  }
0x53: {  	_ =	shalt  }
0x54: {  	_ =	shalt  }
0x55: {  	_ =	shalt  }
0x56: {  	_ =	shalt  }
0x57: {  	_ =	shalt  }
0x58: {  	_ =	shalt  }
0x59: {  	_ =	shalt  }
0x5a: {  	_ =	shalt  }
0x5b: {  	_ =	shalt  }
0x5c: {  	_ =	shalt  }
0x5d: {  	_ =	shalt  }
0x5e: {  	_ =	shalt  }
0x5f: {  	_ =	shalt  }
0x60: {  	_ =	shalt  }
0x61: {  	_ =	shalt  }
0x62: {  	_ =	shalt  }
0x63: {  	_ =	shalt  }
0x64: {  	_ =	shalt  }
0x65: {  	_ =	shalt  }
0x66: {  	_ =	shalt  }
0x67: {  	_ =	shalt  }
0x68: {  	_ =	shalt  }
0x69: {  	_ =	shalt  }
0x6a: {  	_ =	shalt  }
0x6b: {  	_ =	shalt  }
0x6c: {  	_ =	shalt  }
0x6d: {  	_ =	shalt  }
0x6e: {  	_ =	shalt  }
0x6f: {  	_ =	shalt  }
0x70: {  	_ =	shalt  }
0x71: {  	_ =	shalt  }
0x72: {  	_ =	shalt  }
0x73: {  	_ =	shalt  }
0x74: {  	_ =	shalt  }
0x75: {  	_ =	shalt  }
0x76: {  	_ =	shalt  }
0x77: {  	_ =	shalt  }
0x78: {  	_ =	shalt  }
0x79: {  	_ =	shalt  }
0x7a: {  	_ =	shalt  }
0x7b: {  	_ =	shalt  }
0x7c: {  	_ =	shalt  }
0x7d: {  	_ =	shalt  }
0x7e: {  	_ =	shalt  }
0x7f: {  	_ =	shalt  }
0x80: {  	_ =	shalt  }
0x81: {  	_ =	shalt  }
0x82: {  	_ =	shalt  }
0x83: {  	_ =	shalt  }
0x84: {  	_ =	shalt  }
0x85: {  	_ =	shalt  }
0x86: {  	_ =	shalt  }
0x87: {  	_ =	shalt  }
.Lfunc_end0:
.L_simem_size_0:
called_computation_lowered:
.L_overlay_start_0:
0x88: {  	s2 =	sld [smem:$0x3FD9]  }
0x89: {  	s3 =	sld [smem:$0x3FFE];
	_ =	sdelay $0x1  }
0x8a: {  	s1 =	srdreg.scid  }
0x8b: {  	s0 =	sand.u32 $0x1, s1  }
0x8c: {  	s17 =	sshll.u32 s0, $0xA;
	s2 =	sadd.s32 s3, s2  }
0x8d: {  	s2 =	sadd.s32 s2, s17  }
0x8e: {  	[smem:$0x3FC7] =	sst s2  }
0x8f: {  	_ = 	snop  }
0x90: {  	s2 =	sld [smem:$0x3FD0];
	(tm) =	ssettm $0x1  }
0x91: {  	s18 =	sld [smem:$0x3FFB];
	_ =	sdelay $0x3  }
0x92: {  	_ =	strace s18  }
0x93: {  	s3 =	sld [smem:$0x3FFC];
	_ =	sdelay $0x3  }
0x94: {  	_ =	strace s3  }
0x95: {  	s3 =	sld [smem:$0x3FFD];
	_ =	sdelay $0x3  }
0x96: {  	_ =	strace s3  }
0x97: {  	_ =	strace $0x8FFFFFFF  }
0x98: {  	s19 =	sld [smem:$0x3FDB];
	_ =	sdelay $0x1  }
0x99: {  	s4 =	simm.s32 $_scs_section_size  }
0x9a: {  	s5 =	simm.s32 $_size__tile_overlayer_lowered;
	s6 =	simm.s32 $_tile_overlayer_lowered  }
0x9b: {  	s22 =	simm.s32 $0x1BFF;
	s21 =	sshll.u32 s6, $0x1;
	s3 =	sadd.s32 s4, s19  }
0x9c: {  	s7 =	simm.s32 $0x0;
	s20 =	sshll.u32 s5, $0x1;
	s5 =	sadd.s32 s21, s3  }
0x9d: {  	[timem:s7], [sflag:s22] =	dma.local [hbm:s5], s20  }
0x9e: {  	_ =	swait.ge [sflag:s22], s20  }
0x9f: {  	s4 =	ssub.s32 $0x0, s20;
	[sflag:s22] =	ssyncset.done $0x0  }
0xa0: {  	[sflag:s22] =	ssyncadd.s32 s4;
	_ =	sdelay $0x1  }
0xa1: {  	s23 =	simm.s32 $0x1B8B  }
0xa2: {  	_ =	swait.ge [sflag:s23], $0x1  }
0xa3: {  	[sflag:s23] =	ssyncset.done $0x0  }
0xa4: {  	s25 =	simm.s32 $0x1B8E;
	s24 =	sld [smem:$0x3FFE];
	[sflag:s23] =	ssyncadd.s32 $0xFFFFFFFF  }
0xa5: {  	s26 =	simm.s32 $execute0_lowered;
	[smem:$0x3FD2] =	sst s25  }
0xa6: {  	s5 =	sshll.u32 s26, $0x1;
	_ =	strace $0x80000046;
	[dreg:$0x1] =	wrdreg $0xFFFFFFFF  }
0xa7: {  	s28 =	simm.s32 $_size_execute0_lowered;
	s3 =	sadd.s32 s3, s5;
	[dreg:$0x0] =	wrdreg $0x0  }
0xa8: {  	s5 =	sshll.u32 s28, $0x1;
	[dreg:$0x2] =	wrdreg s3  }
0xa9: {  	[dreg:$0x3] =	wrdreg s5  }
0xaa: {  	[dreg:$0x4] =	wrdreg $0xC0  }
0xab: {  	_ =	task [dreg:s7], $0x5FFFF  }
0xac: {  	[dreg:$0x1] =	wrdreg $0xFFFFFFFF  }
0xad: {  	[dreg:$0x0] =	wrdreg $0x60  }
0xae: {  	[dreg:$0x2] =	wrdreg s2  }
0xaf: {  	[dreg:$0x3] =	wrdreg s24  }
0xb0: {  	[dreg:$0x4] =	wrdreg $0x9  }
0xb1: {  	_ =	task.clear_ibuf [dreg:s7], $0x5FFFF;
	_ =	strace $0x90000046  }
0xb2: {  	s29 =	simm.s32 $0x9;
	_ =	strace $0x80000048  }
0xb3: {  	_ =	swait.ge [sflag:s29], $0x1  }
0xb4: {  	[sflag:s29] =	ssyncadd.s32 $0xFFFFFFFF  }
0xb5: {  	_ =	strace $0x90000048  }
0xb6: {  	_ =	sfence  }
0xb7: {  	s30 =	sld [smem:$0x0];
	_ =	sdelay $0x2  }
0xb8: {  	s31 =	sshll.u32 s1, $0xD;
	s1 =	sshrl.u32 s1, $0x2  }
0xb9: {  	s3 =	sand.u32 $0x4000, s31;
	s1 =	sadd.s32 s1, s30  }
0xba: {  	s0 =	sor.u32 s3, s0;
	s1 =	sshll.u32 s1, $0x11  }
0xbb: {  	s0 =	sor.u32 s1, s0  }
0xbc: {  	s0 =	sadd.s32 $0x8F2B, s0  }
0xbd: {  	[sflag:s0] =	ssyncadd.remote.s32 $0x1  }
0xbe: {  	_ =	sfence.sel $0xFFFF  }
0xbf: {  	[dreg:$0x0] =	wrdreg $0xFFFFFFFF;
	(pc) =	sbr.abs _section_cstart, $3  }
0xc0: {  	[dreg:$0x1] =	wrdreg $0xFFFFFFFF  }
0xc1: {  	_ =	task.clear_ibuf [dreg:s7], $0x2FFFF;
	_ =	strace $0x9FFFFFFF  }
0xc2: {  	(tm) =	ssettm $0x7FFFFFFF  }
0xc3: {  	_ =	shalt  }
tec
execute0_lowered:
.L_overlay_start_1:
0x0: {  	(tag) =	ssettag $0x1  }
0x1: {  	s6 =	rddreg [dreg:$0x0]  }
0x2: {  	s4 =	rddreg [dreg:$0x1]  }
0x3: {  	s0 =	rddreg [dreg:$0x2];
	s2 =	simm.s32 $0x0;
	s3 =	srdreg.scid  }
0x4: {  	s1 =	stileid.u32;
	s12 =	simm.s32 $0x80;
	s13 =	simm.s32 $0x4100  }
0x5: {  	s14 =	simm.s32 $0x4180;
	s15 =	simm.s32 $0x2000;
	s16 =	simm.s32 $0x1  }
0x6: {  	s17 =	simm.s32 $0x0;
	[smem:$0x7FF] =	sst s2;
	s5 =	sand.u32 $0x1, s3  }
0x7: {  	s8 =	sshll.u32 s1, $0x1;
	s3 =	sadd.s32 $0xA00, s4;
	s4 =	sadd.s32 $0x800, s4  }
0x8: {  	_ =	strace $0x80000047;
	s7 =	ssub.s32 $0x2, s5;
	s10 =	sor.u32 s5, s8  }
0x9: {  	v0 =	vlaneseq.u32;
	v3 =	vimm.s32 $0x0;
	s9 =	sshrl.u32 s7, $0x1;
	s5 =	sshll.u32 s10, $0x8;
	s30 =	sshll.u32 s10, $0xB  }
0xa: {  	v4 =	vimm.f32 $NaN;
	v2 =	vmul.u32 $0x10, v0;
	s31 =	sshll.u32 s10, $0x1;
	s11 =	smin.u32 s10, $0x10;
	v7 =	vmov s10;
	s10 =	simm.s32 $0x4200  }
0xb: {  	v1 =	vmul.u32 $0x40, v0;
	v8 =	vor.u32 $0x10, v0;
	s29 =	ssub.s32 s7, s9;
	s6 =	sadd.s32 s6, s30;
	s7 =	sadd.s32 s4, s31;
	v6 =	vmov s11  }
0xc: {  	v5 =	vor.u32 $0x100, v2;
	s9 =	simm.s32 $0x2;
	s11 =	simm.s32 $0x4210;
	vm0 =	vgt.u32 v7, v8;
	s8 =	smax.u32 s29, $0x1;
	vm1 =	vgt.u32 v6, v0  }
.LBB2_1:
0xd: {  	v6 =	vmov s2  }
0xe: {  	v6 =	vshll.u32 v6, $0x6  }
0xf: {  	v6 =	vor.u32 v1, v6  }
0x10: {  	[tilespmem:s2], [sflag:$0x2] =	stream.linear.gather [hbm4b:s6+s2], $0x4000, $0x38;
	v7 =	vor.u32 $0x1, v6;
	[tilespmem:$0x4410] =	vst v63  }
0x11: {  	_ =	swait.ge [sflag:s9], $0x4000;
	v8 =	vor.u32 $0x2, v6  }
0x12: {  	[sflag:s9] =	ssyncset.done $0x0;
	v9 =	vor.u32 $0x3, v6  }
0x13: {  	[sflag:s9] =	ssyncadd.s32 $0xFFFFC000;
	v10 =	vor.u32 $0x4, v6  }
0x14: {  	v12 =	vor.u32 $0x5, v6;
	v11 =	vld.idx.msk [tilespmem:v6+s2+$0x0], $0xffff  }
0x15: {  	v13 =	vor.u32 $0x6, v6;
	v7 =	vld.idx.msk [tilespmem:v7+s2+$0x0], $0xffff  }
0x16: {  	v14 =	vor.u32 $0x7, v6;
	v8 =	vld.idx.msk [tilespmem:v8+s2+$0x0], $0xffff  }
0x17: {  	v15 =	vor.u32 $0x8, v6;
	v9 =	vld.idx.msk [tilespmem:v9+s2+$0x0], $0xffff  }
0x18: {  	v16 =	vor.u32 $0x9, v6;
	v10 =	vld.idx.msk [tilespmem:v10+s2+$0x0], $0xffff  }
0x19: {  	v17 =	vor.u32 $0xA, v6;
	v12 =	vld.idx.msk [tilespmem:v12+s2+$0x0], $0xffff  }
0x1a: {  	v18 =	vor.u32 $0xB, v6;
	v13 =	vld.idx.msk [tilespmem:v13+s2+$0x0], $0xffff;
	v11 =	vand.u32 $0x7FFFFFFF, v11;
	v7 =	vand.u32 $0x7FFFFFFF, v7  }
0x1b: {  	v19 =	vor.u32 $0xC, v6;
	v14 =	vld.idx.msk [tilespmem:v14+s2+$0x0], $0xffff;
	v8 =	vand.u32 $0x7FFFFFFF, v8;
	v7 =	vmax.u32 v11, v7  }
0x1c: {  	v11 =	vld.idx.msk [tilespmem:v15+s2+$0x0], $0xffff;
	v15 =	vor.u32 $0xD, v6;
	v7 =	vmax.u32 v7, v8;
	v8 =	vand.u32 $0x7FFFFFFF, v9  }
0x1d: {  	v24 =	vor.u32 $0xE, v6;
	v9 =	vld.idx.msk [tilespmem:v16+s2+$0x0], $0xffff;
	v7 =	vmax.u32 v7, v8;
	v8 =	vand.u32 $0x7FFFFFFF, v10  }
0x1e: {  	v25 =	vor.u32 $0xF, v6;
	v10 =	vld.idx.msk [tilespmem:v17+s2+$0x0], $0xffff;
	v7 =	vmax.u32 v7, v8;
	v8 =	vand.u32 $0x7FFFFFFF, v12  }
0x1f: {  	v26 =	vor.u32 $0x10, v6;
	v12 =	vld.idx.msk [tilespmem:v18+s2+$0x0], $0xffff;
	v7 =	vmax.u32 v7, v8;
	v8 =	vand.u32 $0x7FFFFFFF, v13  }
0x20: {  	v27 =	vor.u32 $0x11, v6;
	v13 =	vld.idx.msk [tilespmem:v19+s2+$0x0], $0xffff;
	v7 =	vmax.u32 v7, v8;
	v8 =	vand.u32 $0x7FFFFFFF, v14  }
0x21: {  	v14 =	vld.idx.msk [tilespmem:v15+s2+$0x0], $0xffff;
	v15 =	vor.u32 $0x12, v6;
	v7 =	vmax.u32 v7, v8;
	v8 =	vand.u32 $0x7FFFFFFF, v11  }
0x22: {  	v28 =	vor.u32 $0x13, v6;
	v11 =	vld.idx.msk [tilespmem:v24+s2+$0x0], $0xffff;
	v7 =	vmax.u32 v7, v8;
	v8 =	vand.u32 $0x7FFFFFFF, v9  }
0x23: {  	v29 =	vor.u32 $0x14, v6;
	v9 =	vld.idx.msk [tilespmem:v25+s2+$0x0], $0xffff;
	v7 =	vmax.u32 v7, v8;
	v8 =	vand.u32 $0x7FFFFFFF, v10  }
0x24: {  	v30 =	vor.u32 $0x15, v6;
	v10 =	vld.idx.msk [tilespmem:v26+s2+$0x0], $0xffff;
	v7 =	vmax.u32 v7, v8;
	v8 =	vand.u32 $0x7FFFFFFF, v12  }
0x25: {  	v31 =	vor.u32 $0x16, v6;
	v12 =	vld.idx.msk [tilespmem:v27+s2+$0x0], $0xffff;
	v7 =	vmax.u32 v7, v8;
	v8 =	vand.u32 $0x7FFFFFFF, v13  }
0x26: {  	v13 =	vld.idx.msk [tilespmem:v15+s2+$0x0], $0xffff;
	v15 =	vor.u32 $0x17, v6;
	v7 =	vmax.u32 v7, v8;
	v8 =	vand.u32 $0x7FFFFFFF, v14  }
0x27: {  	v32 =	vor.u32 $0x18, v6;
	v14 =	vld.idx.msk [tilespmem:v28+s2+$0x0], $0xffff;
	v7 =	vmax.u32 v7, v8;
	v8 =	vand.u32 $0x7FFFFFFF, v11  }
0x28: {  	v33 =	vor.u32 $0x19, v6;
	v11 =	vld.idx.msk [tilespmem:v29+s2+$0x0], $0xffff;
	v7 =	vmax.u32 v7, v8;
	v8 =	vand.u32 $0x7FFFFFFF, v9  }
0x29: {  	v34 =	vor.u32 $0x1A, v6;
	v9 =	vld.idx.msk [tilespmem:v30+s2+$0x0], $0xffff;
	v7 =	vmax.u32 v7, v8;
	v8 =	vand.u32 $0x7FFFFFFF, v10  }
0x2a: {  	v35 =	vor.u32 $0x1B, v6;
	v10 =	vld.idx.msk [tilespmem:v31+s2+$0x0], $0xffff;
	v7 =	vmax.u32 v7, v8;
	v8 =	vand.u32 $0x7FFFFFFF, v12  }
0x2b: {  	v12 =	vld.idx.msk [tilespmem:v15+s2+$0x0], $0xffff;
	v15 =	vor.u32 $0x1C, v6;
	v7 =	vmax.u32 v7, v8;
	v8 =	vand.u32 $0x7FFFFFFF, v13  }
0x2c: {  	v36 =	vor.u32 $0x1D, v6;
	v13 =	vld.idx.msk [tilespmem:v32+s2+$0x0], $0xffff;
	v7 =	vmax.u32 v7, v8;
	v8 =	vand.u32 $0x7FFFFFFF, v14  }
0x2d: {  	v37 =	vor.u32 $0x1E, v6;
	v14 =	vld.idx.msk [tilespmem:v33+s2+$0x0], $0xffff;
	v7 =	vmax.u32 v7, v8;
	v8 =	vand.u32 $0x7FFFFFFF, v11  }
0x2e: {  	v38 =	vor.u32 $0x1F, v6;
	v11 =	vld.idx.msk [tilespmem:v34+s2+$0x0], $0xffff;
	v7 =	vmax.u32 v7, v8;
	v8 =	vand.u32 $0x7FFFFFFF, v9  }
0x2f: {  	v39 =	vor.u32 $0x20, v6;
	v9 =	vld.idx.msk [tilespmem:v35+s2+$0x0], $0xffff;
	v7 =	vmax.u32 v7, v8;
	v8 =	vand.u32 $0x7FFFFFFF, v10  }
0x30: {  	v10 =	vld.idx.msk [tilespmem:v15+s2+$0x0], $0xffff;
	v15 =	vor.u32 $0x21, v6;
	v7 =	vmax.u32 v7, v8;
	v8 =	vand.u32 $0x7FFFFFFF, v12  }
0x31: {  	v40 =	vor.u32 $0x22, v6;
	v12 =	vld.idx.msk [tilespmem:v36+s2+$0x0], $0xffff;
	v7 =	vmax.u32 v7, v8;
	v8 =	vand.u32 $0x7FFFFFFF, v13  }
0x32: {  	v41 =	vor.u32 $0x23, v6;
	v13 =	vld.idx.msk [tilespmem:v37+s2+$0x0], $0xffff;
	v7 =	vmax.u32 v7, v8;
	v8 =	vand.u32 $0x7FFFFFFF, v14  }
0x33: {  	v42 =	vor.u32 $0x24, v6;
	v14 =	vld.idx.msk [tilespmem:v38+s2+$0x0], $0xffff;
	v7 =	vmax.u32 v7, v8;
	v8 =	vand.u32 $0x7FFFFFFF, v11  }
0x34: {  	v43 =	vor.u32 $0x25, v6;
	v11 =	vld.idx.msk [tilespmem:v39+s2+$0x0], $0xffff;
	v7 =	vmax.u32 v7, v8;
	v8 =	vand.u32 $0x7FFFFFFF, v9  }
0x35: {  	v9 =	vld.idx.msk [tilespmem:v15+s2+$0x0], $0xffff;
	v15 =	vor.u32 $0x26, v6;
	v7 =	vmax.u32 v7, v8;
	v8 =	vand.u32 $0x7FFFFFFF, v10  }
0x36: {  	v44 =	vor.u32 $0x27, v6;
	v10 =	vld.idx.msk [tilespmem:v40+s2+$0x0], $0xffff;
	v7 =	vmax.u32 v7, v8;
	v8 =	vand.u32 $0x7FFFFFFF, v12  }
0x37: {  	v45 =	vor.u32 $0x28, v6;
	v12 =	vld.idx.msk [tilespmem:v41+s2+$0x0], $0xffff;
	v7 =	vmax.u32 v7, v8;
	v8 =	vand.u32 $0x7FFFFFFF, v13  }
0x38: {  	v46 =	vor.u32 $0x29, v6;
	v13 =	vld.idx.msk [tilespmem:v42+s2+$0x0], $0xffff;
	v7 =	vmax.u32 v7, v8;
	v8 =	vand.u32 $0x7FFFFFFF, v14  }
0x39: {  	v47 =	vor.u32 $0x2A, v6;
	v14 =	vld.idx.msk [tilespmem:v43+s2+$0x0], $0xffff;
	v7 =	vmax.u32 v7, v8;
	v8 =	vand.u32 $0x7FFFFFFF, v11  }
0x3a: {  	v11 =	vld.idx.msk [tilespmem:v15+s2+$0x0], $0xffff;
	v15 =	vor.u32 $0x2B, v6;
	v7 =	vmax.u32 v7, v8;
	v8 =	vand.u32 $0x7FFFFFFF, v9  }
0x3b: {  	v48 =	vor.u32 $0x2C, v6;
	v9 =	vld.idx.msk [tilespmem:v44+s2+$0x0], $0xffff;
	v7 =	vmax.u32 v7, v8;
	v8 =	vand.u32 $0x7FFFFFFF, v10  }
0x3c: {  	v49 =	vor.u32 $0x2D, v6;
	v10 =	vld.idx.msk [tilespmem:v45+s2+$0x0], $0xffff;
	v7 =	vmax.u32 v7, v8;
	v8 =	vand.u32 $0x7FFFFFFF, v12  }
0x3d: {  	v50 =	vor.u32 $0x2E, v6;
	v12 =	vld.idx.msk [tilespmem:v46+s2+$0x0], $0xffff;
	v7 =	vmax.u32 v7, v8;
	v8 =	vand.u32 $0x7FFFFFFF, v13  }
0x3e: {  	v51 =	vor.u32 $0x2F, v6;
	v13 =	vld.idx.msk [tilespmem:v47+s2+$0x0], $0xffff;
	v7 =	vmax.u32 v7, v8;
	v8 =	vand.u32 $0x7FFFFFFF, v14  }
0x3f: {  	v14 =	vld.idx.msk [tilespmem:v15+s2+$0x0], $0xffff;
	v15 =	vor.u32 $0x30, v6;
	v7 =	vmax.u32 v7, v8;
	v8 =	vand.u32 $0x7FFFFFFF, v11  }
0x40: {  	v52 =	vor.u32 $0x31, v6;
	v11 =	vld.idx.msk [tilespmem:v48+s2+$0x0], $0xffff;
	v7 =	vmax.u32 v7, v8;
	v8 =	vand.u32 $0x7FFFFFFF, v9  }
0x41: {  	v53 =	vor.u32 $0x32, v6;
	v9 =	vld.idx.msk [tilespmem:v49+s2+$0x0], $0xffff;
	v7 =	vmax.u32 v7, v8;
	v8 =	vand.u32 $0x7FFFFFFF, v10  }
0x42: {  	v54 =	vor.u32 $0x33, v6;
	v10 =	vld.idx.msk [tilespmem:v50+s2+$0x0], $0xffff;
	v7 =	vmax.u32 v7, v8;
	v8 =	vand.u32 $0x7FFFFFFF, v12  }
0x43: {  	v55 =	vor.u32 $0x34, v6;
	v12 =	vld.idx.msk [tilespmem:v51+s2+$0x0], $0xffff;
	v7 =	vmax.u32 v7, v8;
	v8 =	vand.u32 $0x7FFFFFFF, v13  }
0x44: {  	v13 =	vld.idx.msk [tilespmem:v15+s2+$0x0], $0xffff;
	v15 =	vor.u32 $0x35, v6;
	v7 =	vmax.u32 v7, v8;
	v8 =	vand.u32 $0x7FFFFFFF, v14  }
0x45: {  	v56 =	vor.u32 $0x36, v6;
	v14 =	vld.idx.msk [tilespmem:v52+s2+$0x0], $0xffff;
	v7 =	vmax.u32 v7, v8;
	v8 =	vand.u32 $0x7FFFFFFF, v11  }
0x46: {  	v57 =	vor.u32 $0x37, v6;
	v11 =	vld.idx.msk [tilespmem:v53+s2+$0x0], $0xffff;
	v7 =	vmax.u32 v7, v8;
	v8 =	vand.u32 $0x7FFFFFFF, v9  }
0x47: {  	v58 =	vor.u32 $0x38, v6;
	v9 =	vld.idx.msk [tilespmem:v54+s2+$0x0], $0xffff;
	v7 =	vmax.u32 v7, v8;
	v8 =	vand.u32 $0x7FFFFFFF, v10  }
0x48: {  	v59 =	vor.u32 $0x39, v6;
	v10 =	vld.idx.msk [tilespmem:v55+s2+$0x0], $0xffff;
	v7 =	vmax.u32 v7, v8;
	v8 =	vand.u32 $0x7FFFFFFF, v12  }
0x49: {  	v12 =	vld.idx.msk [tilespmem:v15+s2+$0x0], $0xffff;
	v15 =	vor.u32 $0x3A, v6;
	v7 =	vmax.u32 v7, v8;
	v8 =	vand.u32 $0x7FFFFFFF, v13  }
0x4a: {  	v60 =	vor.u32 $0x3B, v6;
	v13 =	vld.idx.msk [tilespmem:v56+s2+$0x0], $0xffff;
	v7 =	vmax.u32 v7, v8;
	v8 =	vand.u32 $0x7FFFFFFF, v14  }
0x4b: {  	v61 =	vor.u32 $0x3C, v6;
	v14 =	vld.idx.msk [tilespmem:v57+s2+$0x0], $0xffff;
	v7 =	vmax.u32 v7, v8;
	v8 =	vand.u32 $0x7FFFFFFF, v11  }
0x4c: {  	v62 =	vor.u32 $0x3D, v6;
	v11 =	vld.idx.msk [tilespmem:v58+s2+$0x0], $0xffff;
	v7 =	vmax.u32 v7, v8;
	v8 =	vand.u32 $0x7FFFFFFF, v9  }
0x4d: {  	v63 =	vor.u32 $0x3E, v6;
	v9 =	vld.idx.msk [tilespmem:v59+s2+$0x0], $0xffff;
	v7 =	vmax.u32 v7, v8;
	v8 =	vand.u32 $0x7FFFFFFF, v10  }
0x4e: {  	v6 =	vor.u32 $0x3F, v6;
	v10 =	vld.idx.msk [tilespmem:v15+s2+$0x0], $0xffff;
	v7 =	vmax.u32 v7, v8;
	v8 =	vand.u32 $0x7FFFFFFF, v12  }
0x4f: {  	v12 =	vld.idx.msk [tilespmem:v60+s2+$0x0], $0xffff;
	v7 =	vmax.u32 v7, v8;
	v8 =	vand.u32 $0x7FFFFFFF, v13  }
0x50: {  	v13 =	vld.idx.msk [tilespmem:v61+s2+$0x0], $0xffff;
	v7 =	vmax.u32 v7, v8;
	v8 =	vand.u32 $0x7FFFFFFF, v14  }
0x51: {  	v14 =	vld.idx.msk [tilespmem:v62+s2+$0x0], $0xffff;
	v7 =	vmax.u32 v7, v8;
	v8 =	vand.u32 $0x7FFFFFFF, v11  }
0x52: {  	v11 =	vld.idx.msk [tilespmem:v63+s2+$0x0], $0xffff;
	v7 =	vmax.u32 v7, v8;
	v8 =	vand.u32 $0x7FFFFFFF, v9  }
0x53: {  	v9 =	vld.idx.msk [tilespmem:v6+s2+$0x0], $0xffff;
	v6 =	vmax.u32 v7, v8;
	v7 =	vand.u32 $0x7FFFFFFF, v10  }
0x54: {  	v6 =	vmax.u32 v6, v7;
	v7 =	vand.u32 $0x7FFFFFFF, v12  }
0x55: {  	s18 =	simm.s32 $0x10;
	v6 =	vmax.u32 v6, v7;
	v7 =	vand.u32 $0x7FFFFFFF, v13  }
0x56: {  	v8 =	vmov s18;
	v6 =	vmax.u32 v6, v7;
	v7 =	vand.u32 $0x7FFFFFFF, v14  }
0x57: {  	v8 =	vshll.u32 v8, $0x6;
	v10 =	vand.u32 $0x7FFFFFFF, v11;
	v7 =	vmax.u32 v6, v7  }
0x58: {  	v6 =	vor.u32 v1, v8;
	v8 =	vand.u32 $0x7FFFFFFF, v9;
	v7 =	vmax.u32 v7, v10  }
0x59: {  	v9 =	vor.u32 $0x1, v6;
	v7 =	vmax.u32 v7, v8  }
0x5a: {  	v8 =	vor.u32 $0x2, v6;
	vm2 =	vgt.u32 v7, $0x7F800000  }
0x5b: {  	s18 =	simm.s32 $0x4000;
	v7 =	vor.u32 $0x3, v6;
	v10 =	vsel vm2, $0x1, v3  }
0x5c: {  	v11 =	vor.u32 $0x4, v6;
	[tilespmem:s18+$0x0] =	vst v10  }
0x5d: {  	v12 =	vor.u32 $0x5, v6;
	v10 =	vld.idx.msk [tilespmem:v6+s2+$0x0], $0xffff  }
0x5e: {  	v13 =	vor.u32 $0x6, v6;
	v9 =	vld.idx.msk [tilespmem:v9+s2+$0x0], $0xffff  }
0x5f: {  	v14 =	vor.u32 $0x7, v6;
	v8 =	vld.idx.msk [tilespmem:v8+s2+$0x0], $0xffff  }
0x60: {  	v15 =	vor.u32 $0x8, v6;
	v7 =	vld.idx.msk [tilespmem:v7+s2+$0x0], $0xffff  }
0x61: {  	v21 =	vor.u32 $0x9, v6;
	v11 =	vld.idx.msk [tilespmem:v11+s2+$0x0], $0xffff  }
0x62: {  	v22 =	vor.u32 $0xA, v6;
	v12 =	vld.idx.msk [tilespmem:v12+s2+$0x0], $0xffff  }
0x63: {  	v23 =	vor.u32 $0xB, v6;
	v13 =	vld.idx.msk [tilespmem:v13+s2+$0x0], $0xffff;
	v10 =	vand.u32 $0x7FFFFFFF, v10;
	v9 =	vand.u32 $0x7FFFFFFF, v9  }
0x64: {  	v24 =	vor.u32 $0xC, v6;
	v14 =	vld.idx.msk [tilespmem:v14+s2+$0x0], $0xffff;
	v9 =	vmax.u32 v10, v9;
	v8 =	vand.u32 $0x7FFFFFFF, v8  }
0x65: {  	v10 =	vld.idx.msk [tilespmem:v15+s2+$0x0], $0xffff;
	v15 =	vor.u32 $0xD, v6;
	v8 =	vmax.u32 v9, v8;
	v7 =	vand.u32 $0x7FFFFFFF, v7  }
0x66: {  	v25 =	vor.u32 $0xE, v6;
	v9 =	vld.idx.msk [tilespmem:v21+s2+$0x0], $0xffff;
	v7 =	vmax.u32 v8, v7;
	v8 =	vand.u32 $0x7FFFFFFF, v11  }
0x67: {  	v26 =	vor.u32 $0xF, v6;
	v11 =	vld.idx.msk [tilespmem:v22+s2+$0x0], $0xffff;
	v7 =	vmax.u32 v7, v8;
	v8 =	vand.u32 $0x7FFFFFFF, v12  }
0x68: {  	v27 =	vor.u32 $0x10, v6;
	v12 =	vld.idx.msk [tilespmem:v23+s2+$0x0], $0xffff;
	v7 =	vmax.u32 v7, v8;
	v8 =	vand.u32 $0x7FFFFFFF, v13  }
0x69: {  	v28 =	vor.u32 $0x11, v6;
	v13 =	vld.idx.msk [tilespmem:v24+s2+$0x0], $0xffff;
	v7 =	vmax.u32 v7, v8;
	v8 =	vand.u32 $0x7FFFFFFF, v14  }
0x6a: {  	v14 =	vld.idx.msk [tilespmem:v15+s2+$0x0], $0xffff;
	v15 =	vor.u32 $0x12, v6;
	v7 =	vmax.u32 v7, v8;
	v8 =	vand.u32 $0x7FFFFFFF, v10  }
0x6b: {  	v29 =	vor.u32 $0x13, v6;
	v10 =	vld.idx.msk [tilespmem:v25+s2+$0x0], $0xffff;
	v7 =	vmax.u32 v7, v8;
	v8 =	vand.u32 $0x7FFFFFFF, v9  }
0x6c: {  	v30 =	vor.u32 $0x14, v6;
	v9 =	vld.idx.msk [tilespmem:v26+s2+$0x0], $0xffff;
	v7 =	vmax.u32 v7, v8;
	v8 =	vand.u32 $0x7FFFFFFF, v11  }
0x6d: {  	v31 =	vor.u32 $0x15, v6;
	v11 =	vld.idx.msk [tilespmem:v27+s2+$0x0], $0xffff;
	v7 =	vmax.u32 v7, v8;
	v8 =	vand.u32 $0x7FFFFFFF, v12  }
0x6e: {  	v32 =	vor.u32 $0x16, v6;
	v12 =	vld.idx.msk [tilespmem:v28+s2+$0x0], $0xffff;
	v7 =	vmax.u32 v7, v8;
	v8 =	vand.u32 $0x7FFFFFFF, v13  }
0x6f: {  	v13 =	vld.idx.msk [tilespmem:v15+s2+$0x0], $0xffff;
	v15 =	vor.u32 $0x17, v6;
	v7 =	vmax.u32 v7, v8;
	v8 =	vand.u32 $0x7FFFFFFF, v14  }
0x70: {  	v33 =	vor.u32 $0x18, v6;
	v14 =	vld.idx.msk [tilespmem:v29+s2+$0x0], $0xffff;
	v7 =	vmax.u32 v7, v8;
	v8 =	vand.u32 $0x7FFFFFFF, v10  }
0x71: {  	v34 =	vor.u32 $0x19, v6;
	v10 =	vld.idx.msk [tilespmem:v30+s2+$0x0], $0xffff;
	v7 =	vmax.u32 v7, v8;
	v8 =	vand.u32 $0x7FFFFFFF, v9  }
0x72: {  	v35 =	vor.u32 $0x1A, v6;
	v9 =	vld.idx.msk [tilespmem:v31+s2+$0x0], $0xffff;
	v7 =	vmax.u32 v7, v8;
	v8 =	vand.u32 $0x7FFFFFFF, v11  }
0x73: {  	v36 =	vor.u32 $0x1B, v6;
	v11 =	vld.idx.msk [tilespmem:v32+s2+$0x0], $0xffff;
	v7 =	vmax.u32 v7, v8;
	v8 =	vand.u32 $0x7FFFFFFF, v12  }
0x74: {  	v12 =	vld.idx.msk [tilespmem:v15+s2+$0x0], $0xffff;
	v15 =	vor.u32 $0x1C, v6;
	v7 =	vmax.u32 v7, v8;
	v8 =	vand.u32 $0x7FFFFFFF, v13  }
0x75: {  	v37 =	vor.u32 $0x1D, v6;
	v13 =	vld.idx.msk [tilespmem:v33+s2+$0x0], $0xffff;
	v7 =	vmax.u32 v7, v8;
	v8 =	vand.u32 $0x7FFFFFFF, v14  }
0x76: {  	v38 =	vor.u32 $0x1E, v6;
	v14 =	vld.idx.msk [tilespmem:v34+s2+$0x0], $0xffff;
	v7 =	vmax.u32 v7, v8;
	v8 =	vand.u32 $0x7FFFFFFF, v10  }
0x77: {  	v39 =	vor.u32 $0x1F, v6;
	v10 =	vld.idx.msk [tilespmem:v35+s2+$0x0], $0xffff;
	v7 =	vmax.u32 v7, v8;
	v8 =	vand.u32 $0x7FFFFFFF, v9  }
0x78: {  	v40 =	vor.u32 $0x20, v6;
	v9 =	vld.idx.msk [tilespmem:v36+s2+$0x0], $0xffff;
	v7 =	vmax.u32 v7, v8;
	v8 =	vand.u32 $0x7FFFFFFF, v11  }
0x79: {  	v11 =	vld.idx.msk [tilespmem:v15+s2+$0x0], $0xffff;
	v15 =	vor.u32 $0x21, v6;
	v7 =	vmax.u32 v7, v8;
	v8 =	vand.u32 $0x7FFFFFFF, v12  }
0x7a: {  	v41 =	vor.u32 $0x22, v6;
	v12 =	vld.idx.msk [tilespmem:v37+s2+$0x0], $0xffff;
	v7 =	vmax.u32 v7, v8;
	v8 =	vand.u32 $0x7FFFFFFF, v13  }
0x7b: {  	v42 =	vor.u32 $0x23, v6;
	v13 =	vld.idx.msk [tilespmem:v38+s2+$0x0], $0xffff;
	v7 =	vmax.u32 v7, v8;
	v8 =	vand.u32 $0x7FFFFFFF, v14  }
0x7c: {  	v43 =	vor.u32 $0x24, v6;
	v14 =	vld.idx.msk [tilespmem:v39+s2+$0x0], $0xffff;
	v7 =	vmax.u32 v7, v8;
	v8 =	vand.u32 $0x7FFFFFFF, v10  }
0x7d: {  	v44 =	vor.u32 $0x25, v6;
	v10 =	vld.idx.msk [tilespmem:v40+s2+$0x0], $0xffff;
	v7 =	vmax.u32 v7, v8;
	v8 =	vand.u32 $0x7FFFFFFF, v9  }
0x7e: {  	v9 =	vld.idx.msk [tilespmem:v15+s2+$0x0], $0xffff;
	v15 =	vor.u32 $0x26, v6;
	v7 =	vmax.u32 v7, v8;
	v8 =	vand.u32 $0x7FFFFFFF, v11  }
0x7f: {  	v45 =	vor.u32 $0x27, v6;
	v11 =	vld.idx.msk [tilespmem:v41+s2+$0x0], $0xffff;
	v7 =	vmax.u32 v7, v8;
	v8 =	vand.u32 $0x7FFFFFFF, v12  }
0x80: {  	v46 =	vor.u32 $0x28, v6;
	v12 =	vld.idx.msk [tilespmem:v42+s2+$0x0], $0xffff;
	v7 =	vmax.u32 v7, v8;
	v8 =	vand.u32 $0x7FFFFFFF, v13  }
0x81: {  	v47 =	vor.u32 $0x29, v6;
	v13 =	vld.idx.msk [tilespmem:v43+s2+$0x0], $0xffff;
	v7 =	vmax.u32 v7, v8;
	v8 =	vand.u32 $0x7FFFFFFF, v14  }
0x82: {  	v48 =	vor.u32 $0x2A, v6;
	v14 =	vld.idx.msk [tilespmem:v44+s2+$0x0], $0xffff;
	v7 =	vmax.u32 v7, v8;
	v8 =	vand.u32 $0x7FFFFFFF, v10  }
0x83: {  	v10 =	vld.idx.msk [tilespmem:v15+s2+$0x0], $0xffff;
	v15 =	vor.u32 $0x2B, v6;
	v7 =	vmax.u32 v7, v8;
	v8 =	vand.u32 $0x7FFFFFFF, v9  }
0x84: {  	v49 =	vor.u32 $0x2C, v6;
	v9 =	vld.idx.msk [tilespmem:v45+s2+$0x0], $0xffff;
	v7 =	vmax.u32 v7, v8;
	v8 =	vand.u32 $0x7FFFFFFF, v11  }
0x85: {  	v50 =	vor.u32 $0x2D, v6;
	v11 =	vld.idx.msk [tilespmem:v46+s2+$0x0], $0xffff;
	v7 =	vmax.u32 v7, v8;
	v8 =	vand.u32 $0x7FFFFFFF, v12  }
0x86: {  	v51 =	vor.u32 $0x2E, v6;
	v12 =	vld.idx.msk [tilespmem:v47+s2+$0x0], $0xffff;
	v7 =	vmax.u32 v7, v8;
	v8 =	vand.u32 $0x7FFFFFFF, v13  }
0x87: {  	v52 =	vor.u32 $0x2F, v6;
	v13 =	vld.idx.msk [tilespmem:v48+s2+$0x0], $0xffff;
	v7 =	vmax.u32 v7, v8;
	v8 =	vand.u32 $0x7FFFFFFF, v14  }
0x88: {  	v14 =	vld.idx.msk [tilespmem:v15+s2+$0x0], $0xffff;
	v15 =	vor.u32 $0x30, v6;
	v7 =	vmax.u32 v7, v8;
	v8 =	vand.u32 $0x7FFFFFFF, v10  }
0x89: {  	v53 =	vor.u32 $0x31, v6;
	v10 =	vld.idx.msk [tilespmem:v49+s2+$0x0], $0xffff;
	v7 =	vmax.u32 v7, v8;
	v8 =	vand.u32 $0x7FFFFFFF, v9  }
0x8a: {  	v54 =	vor.u32 $0x32, v6;
	v9 =	vld.idx.msk [tilespmem:v50+s2+$0x0], $0xffff;
	v7 =	vmax.u32 v7, v8;
	v8 =	vand.u32 $0x7FFFFFFF, v11  }
0x8b: {  	v55 =	vor.u32 $0x33, v6;
	v11 =	vld.idx.msk [tilespmem:v51+s2+$0x0], $0xffff;
	v7 =	vmax.u32 v7, v8;
	v8 =	vand.u32 $0x7FFFFFFF, v12  }
0x8c: {  	v56 =	vor.u32 $0x34, v6;
	v12 =	vld.idx.msk [tilespmem:v52+s2+$0x0], $0xffff;
	v7 =	vmax.u32 v7, v8;
	v8 =	vand.u32 $0x7FFFFFFF, v13  }
0x8d: {  	v13 =	vld.idx.msk [tilespmem:v15+s2+$0x0], $0xffff;
	v15 =	vor.u32 $0x35, v6;
	v7 =	vmax.u32 v7, v8;
	v8 =	vand.u32 $0x7FFFFFFF, v14  }
0x8e: {  	v57 =	vor.u32 $0x36, v6;
	v14 =	vld.idx.msk [tilespmem:v53+s2+$0x0], $0xffff;
	v7 =	vmax.u32 v7, v8;
	v8 =	vand.u32 $0x7FFFFFFF, v10  }
0x8f: {  	v58 =	vor.u32 $0x37, v6;
	v10 =	vld.idx.msk [tilespmem:v54+s2+$0x0], $0xffff;
	v7 =	vmax.u32 v7, v8;
	v8 =	vand.u32 $0x7FFFFFFF, v9  }
0x90: {  	v59 =	vor.u32 $0x38, v6;
	v9 =	vld.idx.msk [tilespmem:v55+s2+$0x0], $0xffff;
	v7 =	vmax.u32 v7, v8;
	v8 =	vand.u32 $0x7FFFFFFF, v11  }
0x91: {  	v60 =	vor.u32 $0x39, v6;
	v11 =	vld.idx.msk [tilespmem:v56+s2+$0x0], $0xffff;
	v7 =	vmax.u32 v7, v8;
	v8 =	vand.u32 $0x7FFFFFFF, v12  }
0x92: {  	v12 =	vld.idx.msk [tilespmem:v15+s2+$0x0], $0xffff;
	v15 =	vor.u32 $0x3A, v6;
	v7 =	vmax.u32 v7, v8;
	v8 =	vand.u32 $0x7FFFFFFF, v13  }
0x93: {  	v61 =	vor.u32 $0x3B, v6;
	v13 =	vld.idx.msk [tilespmem:v57+s2+$0x0], $0xffff;
	v7 =	vmax.u32 v7, v8;
	v8 =	vand.u32 $0x7FFFFFFF, v14  }
0x94: {  	v14 =	vld.idx.msk [tilespmem:v58+s2+$0x0], $0xffff;
	v7 =	vmax.u32 v7, v8;
	v8 =	vand.u32 $0x7FFFFFFF, v10;
	v10 =	vor.u32 $0x3C, v6  }
0x95: {  	v62 =	vld.idx.msk [tilespmem:v59+s2+$0x0], $0xffff;
	v7 =	vmax.u32 v7, v8;
	v8 =	vand.u32 $0x7FFFFFFF, v9;
	v9 =	vor.u32 $0x3D, v6  }
0x96: {  	v63 =	vld.idx.msk [tilespmem:v60+s2+$0x0], $0xffff;
	v7 =	vmax.u32 v7, v8;
	v8 =	vand.u32 $0x7FFFFFFF, v11;
	v11 =	vor.u32 $0x3E, v6  }
0x97: {  	v15 =	vld.idx.msk [tilespmem:v15+s2+$0x0], $0xffff;
	v7 =	vmax.u32 v7, v8;
	v8 =	vand.u32 $0x7FFFFFFF, v12;
	v12 =	vor.u32 $0x3F, v6  }
0x98: {  	v16 =	vld.idx.msk [tilespmem:v61+s2+$0x0], $0xffff;
	v6 =	vmax.u32 v7, v8;
	v7 =	vand.u32 $0x7FFFFFFF, v13  }
0x99: {  	v8 =	vand.u32 $0x7FFFFFFF, v14;
	v6 =	vmax.u32 v6, v7;
	v7 =	vld.idx.msk [tilespmem:v10+s2+$0x0], $0xffff  }
0x9a: {  	v13 =	vmpcnt.ones.xlane vm2;
	v10 =	vand.u32 $0x7FFFFFFF, v62;
	v6 =	vmax.u32 v6, v8;
	v8 =	vld.idx.msk [tilespmem:v9+s2+$0x0], $0xffff  }
0x9b: {  	v6 =	vmax.u32 v6, v10;
	v10 =	vand.u32 $0x7FFFFFFF, v63;
	v9 =	vld.idx.msk [tilespmem:v11+s2+$0x0], $0xffff  }
0x9c: {  	v13 =	vsub.s32 v3, v13;
	v14 =	vand.u32 $0x7FFFFFFF, v15;
	v11 =	vmax.u32 v6, v10;
	v10 =	vld.idx.msk [tilespmem:v12+s2+$0x0], $0xffff  }
0x9d: {  	s19 =	simm.s32 $0x20;
	s20 =	simm.s32 $0x30;
	v6 =	vadd.s32 $0x10, v13;
	v12 =	vand.u32 $0x7FFFFFFF, v16;
	v11 =	vmax.u32 v11, v14  }
.LBB2_2:
0x9e: {  	p0 =	sne.s32 s20, $0xF0;
	v11 =	vmax.u32 v11, v12;
	v7 =	vand.u32 $0x7FFFFFFF, v7  }
0x9f: {  	v12 =	vmov s19;
	v8 =	vand.u32 $0x7FFFFFFF, v8;
	s19 =	smov.u32 s20;
	v7 =	vmax.u32 v11, v7  }
0xa0: {  	v11 =	vshll.u32 v12, $0x6;
	v9 =	vand.u32 $0x7FFFFFFF, v9;
	v8 =	vmax.u32 v7, v8  }
0xa1: {  	v7 =	vor.u32 v1, v11;
	v8 =	vmax.u32 v8, v9;
	v9 =	vand.u32 $0x7FFFFFFF, v10  }
0xa2: {  	v10 =	vor.u32 $0x1, v7;
	v8 =	vmax.u32 v8, v9  }
0xa3: {  	v9 =	vor.u32 $0x2, v7;
	vm2 =	vgt.u32 v8, $0x7F800000  }
0xa4: {  	s18 =	sadd.s32 $0x10, s18;
	v8 =	vor.u32 $0x3, v7;
	v11 =	vsel vm2, $0x1, v3;
	v12 =	vmpcnt.ones.xlane vm2  }
0xa5: {  	v13 =	vor.u32 $0x4, v7;
	[tilespmem:s18+$0x0] =	vst v11  }
0xa6: {  	v14 =	vor.u32 $0x5, v7;
	v11 =	vld.idx.msk [tilespmem:v7+s2+$0x0], $0xffff;
	v6 =	vsub.s32 v6, v12  }
0xa7: {  	v12 =	vor.u32 $0x6, v7;
	v10 =	vld.idx.msk [tilespmem:v10+s2+$0x0], $0xffff;
	v6 =	vadd.s32 $0x10, v6  }
0xa8: {  	v15 =	vor.u32 $0x7, v7;
	v9 =	vld.idx.msk [tilespmem:v9+s2+$0x0], $0xffff  }
0xa9: {  	v16 =	vor.u32 $0x8, v7;
	v8 =	vld.idx.msk [tilespmem:v8+s2+$0x0], $0xffff  }
0xaa: {  	v17 =	vor.u32 $0x9, v7;
	v13 =	vld.idx.msk [tilespmem:v13+s2+$0x0], $0xffff  }
0xab: {  	v18 =	vor.u32 $0xA, v7;
	v14 =	vld.idx.msk [tilespmem:v14+s2+$0x0], $0xffff  }
0xac: {  	v19 =	vor.u32 $0xB, v7;
	v12 =	vld.idx.msk [tilespmem:v12+s2+$0x0], $0xffff  }
0xad: {  	v20 =	vor.u32 $0xC, v7;
	v11 =	vand.u32 $0x7FFFFFFF, v11;
	v10 =	vand.u32 $0x7FFFFFFF, v10;
	v15 =	vld.idx.msk [tilespmem:v15+s2+$0x0], $0xffff  }
0xae: {  	v10 =	vmax.u32 v11, v10;
	v9 =	vand.u32 $0x7FFFFFFF, v9;
	v11 =	vld.idx.msk [tilespmem:v16+s2+$0x0], $0xffff;
	v16 =	vor.u32 $0xD, v7  }
0xaf: {  	v9 =	vmax.u32 v10, v9;
	v8 =	vand.u32 $0x7FFFFFFF, v8;
	v10 =	vld.idx.msk [tilespmem:v17+s2+$0x0], $0xffff;
	v17 =	vor.u32 $0xE, v7  }
0xb0: {  	v8 =	vmax.u32 v9, v8;
	v9 =	vand.u32 $0x7FFFFFFF, v13;
	v13 =	vld.idx.msk [tilespmem:v18+s2+$0x0], $0xffff;
	v18 =	vor.u32 $0xF, v7  }
0xb1: {  	v8 =	vmax.u32 v8, v9;
	v9 =	vand.u32 $0x7FFFFFFF, v14;
	v14 =	vld.idx.msk [tilespmem:v19+s2+$0x0], $0xffff;
	v19 =	vor.u32 $0x10, v7  }
0xb2: {  	v8 =	vmax.u32 v8, v9;
	v9 =	vand.u32 $0x7FFFFFFF, v12;
	v12 =	vld.idx.msk [tilespmem:v20+s2+$0x0], $0xffff;
	v20 =	vor.u32 $0x11, v7  }
0xb3: {  	v8 =	vmax.u32 v8, v9;
	v9 =	vand.u32 $0x7FFFFFFF, v15;
	v15 =	vld.idx.msk [tilespmem:v16+s2+$0x0], $0xffff;
	v16 =	vor.u32 $0x12, v7  }
0xb4: {  	v8 =	vmax.u32 v8, v9;
	v9 =	vand.u32 $0x7FFFFFFF, v11;
	v11 =	vld.idx.msk [tilespmem:v17+s2+$0x0], $0xffff;
	v17 =	vor.u32 $0x13, v7  }
0xb5: {  	v8 =	vmax.u32 v8, v9;
	v9 =	vand.u32 $0x7FFFFFFF, v10;
	v10 =	vld.idx.msk [tilespmem:v18+s2+$0x0], $0xffff;
	v18 =	vor.u32 $0x14, v7  }
0xb6: {  	v8 =	vmax.u32 v8, v9;
	v9 =	vand.u32 $0x7FFFFFFF, v13;
	v13 =	vld.idx.msk [tilespmem:v19+s2+$0x0], $0xffff;
	v19 =	vor.u32 $0x15, v7  }
0xb7: {  	v8 =	vmax.u32 v8, v9;
	v9 =	vand.u32 $0x7FFFFFFF, v14;
	v14 =	vld.idx.msk [tilespmem:v20+s2+$0x0], $0xffff;
	v20 =	vor.u32 $0x16, v7  }
0xb8: {  	v8 =	vmax.u32 v8, v9;
	v9 =	vand.u32 $0x7FFFFFFF, v12;
	v12 =	vld.idx.msk [tilespmem:v16+s2+$0x0], $0xffff;
	v16 =	vor.u32 $0x17, v7  }
0xb9: {  	v8 =	vmax.u32 v8, v9;
	v9 =	vand.u32 $0x7FFFFFFF, v15;
	v15 =	vld.idx.msk [tilespmem:v17+s2+$0x0], $0xffff;
	v17 =	vor.u32 $0x18, v7  }
0xba: {  	v8 =	vmax.u32 v8, v9;
	v9 =	vand.u32 $0x7FFFFFFF, v11;
	v11 =	vld.idx.msk [tilespmem:v18+s2+$0x0], $0xffff;
	v18 =	vor.u32 $0x19, v7  }
0xbb: {  	v8 =	vmax.u32 v8, v9;
	v9 =	vand.u32 $0x7FFFFFFF, v10;
	v10 =	vld.idx.msk [tilespmem:v19+s2+$0x0], $0xffff;
	v19 =	vor.u32 $0x1A, v7  }
0xbc: {  	v8 =	vmax.u32 v8, v9;
	v9 =	vand.u32 $0x7FFFFFFF, v13;
	v13 =	vld.idx.msk [tilespmem:v20+s2+$0x0], $0xffff;
	v20 =	vor.u32 $0x1B, v7  }
0xbd: {  	v8 =	vmax.u32 v8, v9;
	v9 =	vand.u32 $0x7FFFFFFF, v14;
	v14 =	vld.idx.msk [tilespmem:v16+s2+$0x0], $0xffff;
	v16 =	vor.u32 $0x1C, v7  }
0xbe: {  	v8 =	vmax.u32 v8, v9;
	v9 =	vand.u32 $0x7FFFFFFF, v12;
	v12 =	vld.idx.msk [tilespmem:v17+s2+$0x0], $0xffff;
	v17 =	vor.u32 $0x1D, v7  }
0xbf: {  	v8 =	vmax.u32 v8, v9;
	v9 =	vand.u32 $0x7FFFFFFF, v15;
	v15 =	vld.idx.msk [tilespmem:v18+s2+$0x0], $0xffff;
	v18 =	vor.u32 $0x1E, v7  }
0xc0: {  	v8 =	vmax.u32 v8, v9;
	v9 =	vand.u32 $0x7FFFFFFF, v11;
	v11 =	vld.idx.msk [tilespmem:v19+s2+$0x0], $0xffff;
	v19 =	vor.u32 $0x1F, v7  }
0xc1: {  	v8 =	vmax.u32 v8, v9;
	v9 =	vand.u32 $0x7FFFFFFF, v10;
	v10 =	vld.idx.msk [tilespmem:v20+s2+$0x0], $0xffff;
	v20 =	vor.u32 $0x20, v7  }
0xc2: {  	v8 =	vmax.u32 v8, v9;
	v9 =	vand.u32 $0x7FFFFFFF, v13;
	v13 =	vld.idx.msk [tilespmem:v16+s2+$0x0], $0xffff;
	v16 =	vor.u32 $0x21, v7  }
0xc3: {  	v8 =	vmax.u32 v8, v9;
	v9 =	vand.u32 $0x7FFFFFFF, v14;
	v14 =	vld.idx.msk [tilespmem:v17+s2+$0x0], $0xffff;
	v17 =	vor.u32 $0x22, v7  }
0xc4: {  	v8 =	vmax.u32 v8, v9;
	v9 =	vand.u32 $0x7FFFFFFF, v12;
	v12 =	vld.idx.msk [tilespmem:v18+s2+$0x0], $0xffff;
	v18 =	vor.u32 $0x23, v7  }
0xc5: {  	v8 =	vmax.u32 v8, v9;
	v9 =	vand.u32 $0x7FFFFFFF, v15;
	v15 =	vld.idx.msk [tilespmem:v19+s2+$0x0], $0xffff;
	v19 =	vor.u32 $0x24, v7  }
0xc6: {  	v8 =	vmax.u32 v8, v9;
	v9 =	vand.u32 $0x7FFFFFFF, v11;
	v11 =	vld.idx.msk [tilespmem:v20+s2+$0x0], $0xffff;
	v20 =	vor.u32 $0x25, v7  }
0xc7: {  	v8 =	vmax.u32 v8, v9;
	v9 =	vand.u32 $0x7FFFFFFF, v10;
	v10 =	vld.idx.msk [tilespmem:v16+s2+$0x0], $0xffff;
	v16 =	vor.u32 $0x26, v7  }
0xc8: {  	v8 =	vmax.u32 v8, v9;
	v9 =	vand.u32 $0x7FFFFFFF, v13;
	v13 =	vld.idx.msk [tilespmem:v17+s2+$0x0], $0xffff;
	v17 =	vor.u32 $0x27, v7  }
0xc9: {  	v8 =	vmax.u32 v8, v9;
	v9 =	vand.u32 $0x7FFFFFFF, v14;
	v14 =	vld.idx.msk [tilespmem:v18+s2+$0x0], $0xffff;
	v18 =	vor.u32 $0x28, v7  }
0xca: {  	v8 =	vmax.u32 v8, v9;
	v9 =	vand.u32 $0x7FFFFFFF, v12;
	v12 =	vld.idx.msk [tilespmem:v19+s2+$0x0], $0xffff;
	v19 =	vor.u32 $0x29, v7  }
0xcb: {  	v8 =	vmax.u32 v8, v9;
	v9 =	vand.u32 $0x7FFFFFFF, v15;
	v15 =	vld.idx.msk [tilespmem:v20+s2+$0x0], $0xffff;
	v20 =	vor.u32 $0x2A, v7  }
0xcc: {  	v8 =	vmax.u32 v8, v9;
	v9 =	vand.u32 $0x7FFFFFFF, v11;
	v11 =	vld.idx.msk [tilespmem:v16+s2+$0x0], $0xffff;
	v16 =	vor.u32 $0x2B, v7  }
0xcd: {  	v8 =	vmax.u32 v8, v9;
	v9 =	vand.u32 $0x7FFFFFFF, v10;
	v10 =	vld.idx.msk [tilespmem:v17+s2+$0x0], $0xffff;
	v17 =	vor.u32 $0x2C, v7  }
0xce: {  	v8 =	vmax.u32 v8, v9;
	v9 =	vand.u32 $0x7FFFFFFF, v13;
	v13 =	vld.idx.msk [tilespmem:v18+s2+$0x0], $0xffff;
	v18 =	vor.u32 $0x2D, v7  }
0xcf: {  	v8 =	vmax.u32 v8, v9;
	v9 =	vand.u32 $0x7FFFFFFF, v14;
	v14 =	vld.idx.msk [tilespmem:v19+s2+$0x0], $0xffff;
	v19 =	vor.u32 $0x2E, v7  }
0xd0: {  	v8 =	vmax.u32 v8, v9;
	v9 =	vand.u32 $0x7FFFFFFF, v12;
	v12 =	vld.idx.msk [tilespmem:v20+s2+$0x0], $0xffff;
	v20 =	vor.u32 $0x2F, v7  }
0xd1: {  	v8 =	vmax.u32 v8, v9;
	v9 =	vand.u32 $0x7FFFFFFF, v15;
	v15 =	vld.idx.msk [tilespmem:v16+s2+$0x0], $0xffff;
	v16 =	vor.u32 $0x30, v7  }
0xd2: {  	v8 =	vmax.u32 v8, v9;
	v9 =	vand.u32 $0x7FFFFFFF, v11;
	v11 =	vld.idx.msk [tilespmem:v17+s2+$0x0], $0xffff;
	v17 =	vor.u32 $0x31, v7  }
0xd3: {  	v8 =	vmax.u32 v8, v9;
	v9 =	vand.u32 $0x7FFFFFFF, v10;
	v10 =	vld.idx.msk [tilespmem:v18+s2+$0x0], $0xffff;
	v18 =	vor.u32 $0x32, v7  }
0xd4: {  	v8 =	vmax.u32 v8, v9;
	v9 =	vand.u32 $0x7FFFFFFF, v13;
	v13 =	vld.idx.msk [tilespmem:v19+s2+$0x0], $0xffff;
	v19 =	vor.u32 $0x33, v7  }
0xd5: {  	v8 =	vmax.u32 v8, v9;
	v9 =	vand.u32 $0x7FFFFFFF, v14;
	v14 =	vld.idx.msk [tilespmem:v20+s2+$0x0], $0xffff;
	v20 =	vor.u32 $0x34, v7  }
0xd6: {  	v8 =	vmax.u32 v8, v9;
	v9 =	vand.u32 $0x7FFFFFFF, v12;
	v12 =	vld.idx.msk [tilespmem:v16+s2+$0x0], $0xffff;
	v16 =	vor.u32 $0x35, v7  }
0xd7: {  	v8 =	vmax.u32 v8, v9;
	v9 =	vand.u32 $0x7FFFFFFF, v15;
	v15 =	vld.idx.msk [tilespmem:v17+s2+$0x0], $0xffff;
	v17 =	vor.u32 $0x36, v7  }
0xd8: {  	v8 =	vmax.u32 v8, v9;
	v9 =	vand.u32 $0x7FFFFFFF, v11;
	v11 =	vld.idx.msk [tilespmem:v18+s2+$0x0], $0xffff;
	v18 =	vor.u32 $0x37, v7  }
0xd9: {  	v8 =	vmax.u32 v8, v9;
	v9 =	vand.u32 $0x7FFFFFFF, v10;
	v10 =	vld.idx.msk [tilespmem:v19+s2+$0x0], $0xffff;
	v19 =	vor.u32 $0x38, v7  }
0xda: {  	v8 =	vmax.u32 v8, v9;
	v9 =	vand.u32 $0x7FFFFFFF, v13;
	v13 =	vld.idx.msk [tilespmem:v20+s2+$0x0], $0xffff;
	v20 =	vor.u32 $0x39, v7  }
0xdb: {  	v8 =	vmax.u32 v8, v9;
	v9 =	vand.u32 $0x7FFFFFFF, v14;
	v14 =	vld.idx.msk [tilespmem:v16+s2+$0x0], $0xffff;
	v16 =	vor.u32 $0x3A, v7  }
0xdc: {  	v8 =	vmax.u32 v8, v9;
	v9 =	vand.u32 $0x7FFFFFFF, v12;
	v12 =	vld.idx.msk [tilespmem:v17+s2+$0x0], $0xffff;
	v17 =	vor.u32 $0x3B, v7  }
0xdd: {  	v8 =	vmax.u32 v8, v9;
	v9 =	vand.u32 $0x7FFFFFFF, v15;
	v15 =	vld.idx.msk [tilespmem:v18+s2+$0x0], $0xffff;
	v18 =	vor.u32 $0x3C, v7  }
0xde: {  	v8 =	vmax.u32 v8, v9;
	v9 =	vand.u32 $0x7FFFFFFF, v11;
	v11 =	vld.idx.msk [tilespmem:v19+s2+$0x0], $0xffff;
	v19 =	vor.u32 $0x3D, v7  }
0xdf: {  	v8 =	vmax.u32 v8, v9;
	v9 =	vand.u32 $0x7FFFFFFF, v10;
	v10 =	vld.idx.msk [tilespmem:v20+s2+$0x0], $0xffff;
	v20 =	vor.u32 $0x3E, v7  }
0xe0: {  	v8 =	vmax.u32 v8, v9;
	v9 =	vand.u32 $0x7FFFFFFF, v13;
	v13 =	vld.idx.msk [tilespmem:v16+s2+$0x0], $0xffff;
	v16 =	vor.u32 $0x3F, v7  }
0xe1: {  	v7 =	vmax.u32 v8, v9;
	v8 =	vand.u32 $0x7FFFFFFF, v14;
	v14 =	vld.idx.msk [tilespmem:v17+s2+$0x0], $0xffff  }
0xe2: {  	v8 =	vmax.u32 v7, v8;
	v9 =	vand.u32 $0x7FFFFFFF, v12;
	v7 =	vld.idx.msk [tilespmem:v18+s2+$0x0], $0xffff  }
.Ltmp0:
0xe3: {  	v9 =	vmax.u32 v8, v9;
	v12 =	vand.u32 $0x7FFFFFFF, v15;
	v8 =	vld.idx.msk [tilespmem:v19+s2+$0x0], $0xffff;
	(pc) =	sbr.rel @p0 .LBB2_2-.Ltmp0, $4  }
0xe4: {  	v12 =	vmax.u32 v9, v12;
	v11 =	vand.u32 $0x7FFFFFFF, v11;
	v9 =	vld.idx.msk [tilespmem:v20+s2+$0x0], $0xffff  }
0xe5: {  	v11 =	vmax.u32 v12, v11;
	v12 =	vand.u32 $0x7FFFFFFF, v10;
	v10 =	vld.idx.msk [tilespmem:v16+s2+$0x0], $0xffff  }
0xe6: {  	v11 =	vmax.u32 v11, v12;
	v12 =	vand.u32 $0x7FFFFFFF, v13  }
0xe7: {  	s20 =	sadd.s32 $0x10, s20;
	v11 =	vmax.u32 v11, v12;
	v12 =	vand.u32 $0x7FFFFFFF, v14  }
0xe8: {  	v11 =	vmax.u32 v11, v12;
	v7 =	vand.u32 $0x7FFFFFFF, v7  }
0xe9: {  	v40 =	vmov s19;
	v8 =	vand.u32 $0x7FFFFFFF, v8;
	v7 =	vmax.u32 v11, v7  }
0xea: {  	v41 =	vshll.u32 v40, $0x6;
	v9 =	vand.u32 $0x7FFFFFFF, v9;
	v8 =	vmax.u32 v7, v8  }
0xeb: {  	v7 =	vor.u32 v1, v41;
	v42 =	vand.u32 $0x7FFFFFFF, v10;
	v8 =	vmax.u32 v8, v9  }
0xec: {  	v43 =	vor.u32 $0x1, v7;
	v8 =	vmax.u32 v8, v42  }
0xed: {  	v44 =	vor.u32 $0x2, v7;
	vm2 =	vgt.u32 v8, $0x7F800000  }
0xee: {  	s18 =	sadd.s32 $0x10, s18;
	v45 =	vor.u32 $0x3, v7;
	v46 =	vsel vm2, $0x1, v3  }
0xef: {  	v47 =	vor.u32 $0x4, v7;
	[tilespmem:s18+$0x0] =	vst v46  }
0xf0: {  	v13 =	vor.u32 $0x5, v7;
	v11 =	vld.idx.msk [tilespmem:v7+s2+$0x0], $0xffff  }
0xf1: {  	v14 =	vor.u32 $0x6, v7;
	v10 =	vld.idx.msk [tilespmem:v43+s2+$0x0], $0xffff  }
0xf2: {  	v15 =	vor.u32 $0x7, v7;
	v9 =	vld.idx.msk [tilespmem:v44+s2+$0x0], $0xffff  }
0xf3: {  	v16 =	vor.u32 $0x8, v7;
	v8 =	vld.idx.msk [tilespmem:v45+s2+$0x0], $0xffff  }
0xf4: {  	v17 =	vor.u32 $0x9, v7;
	v12 =	vld.idx.msk [tilespmem:v47+s2+$0x0], $0xffff  }
0xf5: {  	v18 =	vor.u32 $0xA, v7;
	v13 =	vld.idx.msk [tilespmem:v13+s2+$0x0], $0xffff  }
0xf6: {  	v19 =	vor.u32 $0xB, v7;
	v14 =	vld.idx.msk [tilespmem:v14+s2+$0x0], $0xffff;
	v11 =	vand.u32 $0x7FFFFFFF, v11;
	v10 =	vand.u32 $0x7FFFFFFF, v10  }
0xf7: {  	v48 =	vor.u32 $0xC, v7;
	v15 =	vld.idx.msk [tilespmem:v15+s2+$0x0], $0xffff;
	v9 =	vand.u32 $0x7FFFFFFF, v9;
	v10 =	vmax.u32 v11, v10  }
0xf8: {  	v49 =	vor.u32 $0xD, v7;
	v16 =	vld.idx.msk [tilespmem:v16+s2+$0x0], $0xffff;
	v8 =	vand.u32 $0x7FFFFFFF, v8;
	v9 =	vmax.u32 v10, v9  }
0xf9: {  	v50 =	vor.u32 $0xE, v7;
	v17 =	vld.idx.msk [tilespmem:v17+s2+$0x0], $0xffff;
	v12 =	vand.u32 $0x7FFFFFFF, v12;
	v8 =	vmax.u32 v9, v8  }
0xfa: {  	v51 =	vor.u32 $0xF, v7;
	v18 =	vld.idx.msk [tilespmem:v18+s2+$0x0], $0xffff;
	v13 =	vand.u32 $0x7FFFFFFF, v13;
	v8 =	vmax.u32 v8, v12  }
0xfb: {  	v52 =	vor.u32 $0x10, v7;
	v19 =	vld.idx.msk [tilespmem:v19+s2+$0x0], $0xffff;
	v14 =	vand.u32 $0x7FFFFFFF, v14;
	v8 =	vmax.u32 v8, v13  }
0xfc: {  	v53 =	vor.u32 $0x11, v7;
	v15 =	vand.u32 $0x7FFFFFFF, v15;
	v11 =	vld.idx.msk [tilespmem:v48+s2+$0x0], $0xffff;
	v8 =	vmax.u32 v8, v14  }
0xfd: {  	v54 =	vor.u32 $0x12, v7;
	v16 =	vand.u32 $0x7FFFFFFF, v16;
	v10 =	vld.idx.msk [tilespmem:v49+s2+$0x0], $0xffff;
	v8 =	vmax.u32 v8, v15  }
0xfe: {  	v55 =	vor.u32 $0x13, v7;
	v17 =	vand.u32 $0x7FFFFFFF, v17;
	v9 =	vld.idx.msk [tilespmem:v50+s2+$0x0], $0xffff;
	v8 =	vmax.u32 v8, v16  }
0xff: {  	v56 =	vor.u32 $0x14, v7;
	v18 =	vand.u32 $0x7FFFFFFF, v18;
	v12 =	vld.idx.msk [tilespmem:v51+s2+$0x0], $0xffff;
	v8 =	vmax.u32 v8, v17  }
0x100: {  	v57 =	vor.u32 $0x15, v7;
	v19 =	vand.u32 $0x7FFFFFFF, v19;
	v13 =	vld.idx.msk [tilespmem:v52+s2+$0x0], $0xffff;
	v8 =	vmax.u32 v8, v18  }
0x101: {  	v58 =	vor.u32 $0x16, v7;
	v14 =	vld.idx.msk [tilespmem:v53+s2+$0x0], $0xffff;
	v11 =	vand.u32 $0x7FFFFFFF, v11;
	v8 =	vmax.u32 v8, v19  }
0x102: {  	v59 =	vor.u32 $0x17, v7;
	v15 =	vld.idx.msk [tilespmem:v54+s2+$0x0], $0xffff;
	v10 =	vand.u32 $0x7FFFFFFF, v10;
	v8 =	vmax.u32 v8, v11  }
0x103: {  	v60 =	vor.u32 $0x18, v7;
	v16 =	vld.idx.msk [tilespmem:v55+s2+$0x0], $0xffff;
	v9 =	vand.u32 $0x7FFFFFFF, v9;
	v8 =	vmax.u32 v8, v10  }
0x104: {  	v61 =	vor.u32 $0x19, v7;
	v17 =	vld.idx.msk [tilespmem:v56+s2+$0x0], $0xffff;
	v12 =	vand.u32 $0x7FFFFFFF, v12;
	v8 =	vmax.u32 v8, v9  }
0x105: {  	v62 =	vor.u32 $0x1A, v7;
	v18 =	vld.idx.msk [tilespmem:v57+s2+$0x0], $0xffff;
	v13 =	vand.u32 $0x7FFFFFFF, v13;
	v8 =	vmax.u32 v8, v12  }
0x106: {  	v63 =	vor.u32 $0x1B, v7;
	v19 =	vld.idx.msk [tilespmem:v58+s2+$0x0], $0xffff;
	v14 =	vand.u32 $0x7FFFFFFF, v14;
	v8 =	vmax.u32 v8, v13  }
0x107: {  	v21 =	vor.u32 $0x1C, v7;
	v11 =	vld.idx.msk [tilespmem:v59+s2+$0x0], $0xffff;
	v15 =	vand.u32 $0x7FFFFFFF, v15;
	v8 =	vmax.u32 v8, v14  }
0x108: {  	v22 =	vor.u32 $0x1D, v7;
	v10 =	vld.idx.msk [tilespmem:v60+s2+$0x0], $0xffff;
	v16 =	vand.u32 $0x7FFFFFFF, v16;
	v8 =	vmax.u32 v8, v15  }
0x109: {  	v23 =	vor.u32 $0x1E, v7;
	v9 =	vld.idx.msk [tilespmem:v61+s2+$0x0], $0xffff;
	v17 =	vand.u32 $0x7FFFFFFF, v17;
	v8 =	vmax.u32 v8, v16  }
0x10a: {  	v24 =	vor.u32 $0x1F, v7;
	v12 =	vld.idx.msk [tilespmem:v62+s2+$0x0], $0xffff;
	v18 =	vand.u32 $0x7FFFFFFF, v18;
	v8 =	vmax.u32 v8, v17  }
0x10b: {  	v25 =	vor.u32 $0x20, v7;
	v13 =	vld.idx.msk [tilespmem:v63+s2+$0x0], $0xffff;
	v19 =	vand.u32 $0x7FFFFFFF, v19;
	v8 =	vmax.u32 v8, v18  }
0x10c: {  	v26 =	vor.u32 $0x21, v7;
	v14 =	vld.idx.msk [tilespmem:v21+s2+$0x0], $0xffff;
	v11 =	vand.u32 $0x7FFFFFFF, v11;
	v8 =	vmax.u32 v8, v19  }
0x10d: {  	v27 =	vor.u32 $0x22, v7;
	v15 =	vld.idx.msk [tilespmem:v22+s2+$0x0], $0xffff;
	v10 =	vand.u32 $0x7FFFFFFF, v10;
	v8 =	vmax.u32 v8, v11  }
0x10e: {  	v28 =	vor.u32 $0x23, v7;
	v16 =	vld.idx.msk [tilespmem:v23+s2+$0x0], $0xffff;
	v9 =	vand.u32 $0x7FFFFFFF, v9;
	v8 =	vmax.u32 v8, v10  }
0x10f: {  	v29 =	vor.u32 $0x24, v7;
	v17 =	vld.idx.msk [tilespmem:v24+s2+$0x0], $0xffff;
	v12 =	vand.u32 $0x7FFFFFFF, v12;
	v8 =	vmax.u32 v8, v9  }
0x110: {  	v30 =	vor.u32 $0x25, v7;
	v18 =	vld.idx.msk [tilespmem:v25+s2+$0x0], $0xffff;
	v13 =	vand.u32 $0x7FFFFFFF, v13;
	v8 =	vmax.u32 v8, v12  }
0x111: {  	v31 =	vor.u32 $0x26, v7;
	v19 =	vld.idx.msk [tilespmem:v26+s2+$0x0], $0xffff;
	v14 =	vand.u32 $0x7FFFFFFF, v14;
	v8 =	vmax.u32 v8, v13  }
0x112: {  	v32 =	vor.u32 $0x27, v7;
	v11 =	vld.idx.msk [tilespmem:v27+s2+$0x0], $0xffff;
	v15 =	vand.u32 $0x7FFFFFFF, v15;
	v8 =	vmax.u32 v8, v14  }
0x113: {  	v33 =	vor.u32 $0x28, v7;
	v10 =	vld.idx.msk [tilespmem:v28+s2+$0x0], $0xffff;
	v16 =	vand.u32 $0x7FFFFFFF, v16;
	v8 =	vmax.u32 v8, v15  }
0x114: {  	v34 =	vor.u32 $0x29, v7;
	v9 =	vld.idx.msk [tilespmem:v29+s2+$0x0], $0xffff;
	v17 =	vand.u32 $0x7FFFFFFF, v17;
	v8 =	vmax.u32 v8, v16  }
0x115: {  	v35 =	vor.u32 $0x2A, v7;
	v12 =	vld.idx.msk [tilespmem:v30+s2+$0x0], $0xffff;
	v18 =	vand.u32 $0x7FFFFFFF, v18;
	v8 =	vmax.u32 v8, v17  }
0x116: {  	v36 =	vor.u32 $0x2B, v7;
	v13 =	vld.idx.msk [tilespmem:v31+s2+$0x0], $0xffff;
	v19 =	vand.u32 $0x7FFFFFFF, v19;
	v8 =	vmax.u32 v8, v18  }
0x117: {  	v37 =	vor.u32 $0x2C, v7;
	v14 =	vld.idx.msk [tilespmem:v32+s2+$0x0], $0xffff;
	v11 =	vand.u32 $0x7FFFFFFF, v11;
	v8 =	vmax.u32 v8, v19  }
0x118: {  	v38 =	vor.u32 $0x2D, v7;
	v15 =	vld.idx.msk [tilespmem:v33+s2+$0x0], $0xffff;
	v10 =	vand.u32 $0x7FFFFFFF, v10;
	v8 =	vmax.u32 v8, v11  }
0x119: {  	v39 =	vor.u32 $0x2E, v7;
	v16 =	vld.idx.msk [tilespmem:v34+s2+$0x0], $0xffff;
	v9 =	vand.u32 $0x7FFFFFFF, v9;
	v8 =	vmax.u32 v8, v10  }
0x11a: {  	v40 =	vor.u32 $0x2F, v7;
	v17 =	vld.idx.msk [tilespmem:v35+s2+$0x0], $0xffff;
	v12 =	vand.u32 $0x7FFFFFFF, v12;
	v8 =	vmax.u32 v8, v9  }
0x11b: {  	v41 =	vor.u32 $0x30, v7;
	v18 =	vld.idx.msk [tilespmem:v36+s2+$0x0], $0xffff;
	v13 =	vand.u32 $0x7FFFFFFF, v13;
	v8 =	vmax.u32 v8, v12  }
0x11c: {  	v42 =	vor.u32 $0x31, v7;
	v19 =	vld.idx.msk [tilespmem:v37+s2+$0x0], $0xffff;
	v14 =	vand.u32 $0x7FFFFFFF, v14;
	v8 =	vmax.u32 v8, v13  }
0x11d: {  	v43 =	vor.u32 $0x32, v7;
	v11 =	vld.idx.msk [tilespmem:v38+s2+$0x0], $0xffff;
	v15 =	vand.u32 $0x7FFFFFFF, v15;
	v8 =	vmax.u32 v8, v14  }
0x11e: {  	v44 =	vor.u32 $0x33, v7;
	v10 =	vld.idx.msk [tilespmem:v39+s2+$0x0], $0xffff;
	v16 =	vand.u32 $0x7FFFFFFF, v16;
	v8 =	vmax.u32 v8, v15  }
0x11f: {  	v45 =	vor.u32 $0x34, v7;
	v9 =	vld.idx.msk [tilespmem:v40+s2+$0x0], $0xffff;
	v17 =	vand.u32 $0x7FFFFFFF, v17;
	v8 =	vmax.u32 v8, v16  }
0x120: {  	v46 =	vor.u32 $0x35, v7;
	v12 =	vld.idx.msk [tilespmem:v41+s2+$0x0], $0xffff;
	v18 =	vand.u32 $0x7FFFFFFF, v18;
	v8 =	vmax.u32 v8, v17  }
0x121: {  	v47 =	vor.u32 $0x36, v7;
	v13 =	vld.idx.msk [tilespmem:v42+s2+$0x0], $0xffff;
	v19 =	vand.u32 $0x7FFFFFFF, v19;
	v8 =	vmax.u32 v8, v18  }
0x122: {  	v48 =	vor.u32 $0x37, v7;
	v14 =	vld.idx.msk [tilespmem:v43+s2+$0x0], $0xffff;
	v11 =	vand.u32 $0x7FFFFFFF, v11;
	v8 =	vmax.u32 v8, v19  }
0x123: {  	v49 =	vor.u32 $0x38, v7;
	v15 =	vld.idx.msk [tilespmem:v44+s2+$0x0], $0xffff;
	v10 =	vand.u32 $0x7FFFFFFF, v10;
	v8 =	vmax.u32 v8, v11  }
0x124: {  	v50 =	vor.u32 $0x39, v7;
	v16 =	vld.idx.msk [tilespmem:v45+s2+$0x0], $0xffff;
	v9 =	vand.u32 $0x7FFFFFFF, v9;
	v8 =	vmax.u32 v8, v10  }
0x125: {  	v51 =	vor.u32 $0x3A, v7;
	v17 =	vld.idx.msk [tilespmem:v46+s2+$0x0], $0xffff;
	v12 =	vand.u32 $0x7FFFFFFF, v12;
	v8 =	vmax.u32 v8, v9  }
0x126: {  	v52 =	vor.u32 $0x3B, v7;
	v18 =	vld.idx.msk [tilespmem:v47+s2+$0x0], $0xffff;
	v13 =	vand.u32 $0x7FFFFFFF, v13;
	v8 =	vmax.u32 v8, v12  }
0x127: {  	v53 =	vor.u32 $0x3C, v7;
	v19 =	vld.idx.msk [tilespmem:v48+s2+$0x0], $0xffff;
	v14 =	vand.u32 $0x7FFFFFFF, v14;
	v8 =	vmax.u32 v8, v13  }
0x128: {  	v54 =	vor.u32 $0x3D, v7;
	v11 =	vld.idx.msk [tilespmem:v49+s2+$0x0], $0xffff;
	v15 =	vand.u32 $0x7FFFFFFF, v15;
	v8 =	vmax.u32 v8, v14  }
0x129: {  	v55 =	vor.u32 $0x3E, v7;
	v10 =	vld.idx.msk [tilespmem:v50+s2+$0x0], $0xffff;
	v16 =	vand.u32 $0x7FFFFFFF, v16;
	v8 =	vmax.u32 v8, v15  }
0x12a: {  	v7 =	vor.u32 $0x3F, v7;
	v9 =	vld.idx.msk [tilespmem:v51+s2+$0x0], $0xffff;
	v56 =	vand.u32 $0x7FFFFFFF, v17;
	v8 =	vmax.u32 v8, v16  }
0x12b: {  	v12 =	vld.idx.msk [tilespmem:v52+s2+$0x0], $0xffff;
	v57 =	vand.u32 $0x7FFFFFFF, v18;
	v8 =	vmax.u32 v8, v56  }
0x12c: {  	v13 =	vld.idx.msk [tilespmem:v53+s2+$0x0], $0xffff;
	v58 =	vand.u32 $0x7FFFFFFF, v19;
	v8 =	vmax.u32 v8, v57  }
0x12d: {  	v14 =	vld.idx.msk [tilespmem:v54+s2+$0x0], $0xffff;
	v11 =	vand.u32 $0x7FFFFFFF, v11;
	v8 =	vmax.u32 v8, v58  }
0x12e: {  	v15 =	vld.idx.msk [tilespmem:v55+s2+$0x0], $0xffff;
	v10 =	vand.u32 $0x7FFFFFFF, v10;
	v8 =	vmax.u32 v8, v11  }
0x12f: {  	v7 =	vld.idx.msk [tilespmem:v7+s2+$0x0], $0xffff;
	v9 =	vand.u32 $0x7FFFFFFF, v9;
	v8 =	vmax.u32 v8, v10  }
0x130: {  	v59 =	vand.u32 $0x7FFFFFFF, v12;
	v8 =	vmax.u32 v8, v9  }
0x131: {  	v60 =	vand.u32 $0x7FFFFFFF, v13;
	v8 =	vmax.u32 v8, v59  }
0x132: {  	v61 =	vand.u32 $0x7FFFFFFF, v14;
	v8 =	vmax.u32 v8, v60  }
0x133: {  	v62 =	vand.u32 $0x7FFFFFFF, v15;
	v8 =	vmax.u32 v8, v61  }
0x134: {  	v7 =	vand.u32 $0x7FFFFFFF, v7;
	v8 =	vmax.u32 v8, v62  }
0x135: {  	v63 =	vmpcnt.ones.xlane vm2;
	v7 =	vmax.u32 v8, v7  }
0x136: {  	vm2 =	vgt.u32 v7, $0x7F800000  }
0x137: {  	v6 =	vsub.s32 v6, v63;
	v7 =	vmpcnt.ones.xlane vm2  }
0x138: {  	v6 =	vadd.s32 $0x10, v6  }
0x139: {  	v6 =	vsub.s32 v6, v7  }
0x13a: {  	v6 =	vadd.s32 $0x10, v6  }
0x13b: {  	v7 =	vxor.u32 $0x80000000, v6  }
0x13c: {  	(xrf0) =	vmax.scan.msk.u32 $0xffff, v7;
	_ =	sdelay $0x5  }
0x13d: {  	v7, _, _ =	vpop (xrf0)  }
0x13e: {  	(v2sf) =	vpush v7, $0xF;
	_ =	sdelay $0xe  }
0x13f: {  	s18 =	sadd.s32 $0x10, s18;
	v7 =	vsel vm2, $0x1, v3;
	s31 =	spop (v2sf)  }
0x140: {  	v6 =	vadd.s32 $0x5A510000, v6;
	[tilespmem:s18+$0x0] =	vst v7;
	p0 =	sgt.u32 s31, $0x800000FF  }
.Ltmp1:
0x141: {  	s18 =	simm.s32 $0x0;
	[tilespmem:$0x4200] =	vst v6;
	(pc) =	sbr.rel @p0 .LBB2_7-.Ltmp1, $4  }
0x142: {  	[hbm4b:s7+s18] =	stream.linear.scatter [tilespmem:s10], [sflag:$0x2], $0x10, $0x38;
	[tilespmem:$0x4410] =	vst v63  }
0x143: {  	_ =	swait.ge [sflag:s9], $0x10  }
0x144: {  	[sflag:s9] =	ssyncset.done $0x0  }
0x145: {  	s19 =	simm.s32 $0x0;
	[sflag:s9] =	ssyncadd.s32 $0xFFFFFFF0  }
.LBB2_4:
0x146: {  	s20 =	sshll.u32 s19, $0x4  }
0x147: {  	v7 =	vld [tilespmem:s20+$0x4000];
	_ =	sdelay $0x1  }
0x148: {  	v6 =	vmov s18  }
0x149: {  	v8 =	vmov s20;
	v6 =	vand.u32 $0x3F, v6  }
0x14a: {  	v8 =	vshll.u32 v8, $0x6;
	v9 =	vbroadcast v6, $0x0  }
0x14b: {  	v6 =	vor.u32 v1, v8;
	vm2 =	vgt.s32 v7, $0x0  }
0x14c: {  	s20 =	simm.s32 $0x1;
	v7 =	vor.u32 v6, v9  }
.LBB2_5:
0x14d: {  	p0 =	sne.s32 s20, $0x3F  }
.Ltmp2:
0x14e: {  	v8 =	vmov s20;
	s20 =	sadd.s32 $0x1, s20;
	(pc) =	sbr.rel @p0 .LBB2_5-.Ltmp2, $4  }
0x14f: {  	v8 =	vand.u32 $0x3F, v8  }
0x150: {  	v8 =	vbroadcast v8, $0x0  }
0x151: {  	[tilespmem:v7+s2+$0x0] =	vst.idx.msk vm2, v4  }
0x152: {  	v7 =	vor.u32 v6, v8  }
0x153: {  	s19 =	sadd.s32 $0x1, s19  }
0x154: {  	p0 =	sne.s32 s19, $0x10  }
.Ltmp3:
0x155: {  	_ = 	snop;
	(pc) =	sbr.rel @p0 .LBB2_4-.Ltmp3, $2  }
0x156: {  	_ =	sdelay $0x2  }
0x157: {  	[tilespmem:v7+s2+$0x0] =	vst.idx.msk vm2, v4  }
.LBB2_7:
0x158: {  	[tilespmem:s11], [sflag:$0x2] =	stream.linear.gather [hbm4b:s4+s2], $0x200, $0x38;
	[tilespmem:$0x4410] =	vst v63  }
0x159: {  	_ =	swait.ge [sflag:s9], $0x200  }
0x15a: {  	[sflag:s9] =	ssyncset.done $0x0  }
0x15b: {  	[sflag:s9] =	ssyncadd.s32 $0xFFFFFE00  }
0x15c: {  	v6 =	vld.idx.msk [tilespmem:v2+s11+$0x0], $0xffff  }
0x15d: {  	v7 =	vld.idx.msk [tilespmem:v5+s11+$0x0], $0xffff;
	_ =	sdelay $0x4  }
0x15e: {  	v8 =	vand.u32 $0xFFFF0000, v6;
	v9 =	vand.u32 $0xFFFF0000, v7  }
0x15f: {  	vm2 =	veq.s32 v8, $0x5A510000;
	vm3 =	veq.s32 v9, $0x5A510000  }
0x160: {  	vm2 =	vmand vm2, vm3  }
0x161: {  	v8 =	vsel vm2, $0x1, v3  }
0x162: {  	v8 =	vor.u32 $0x80000000, v8  }
0x163: {  	(xrf0) =	vmin.scan.msk.u32 $0xffff, v8;
	_ =	sdelay $0x5  }
0x164: {  	v8, _, _ =	vpop (xrf0)  }
0x165: {  	(v2sf) =	vpush v8, $0xF;
	_ =	sdelay $0xe  }
0x166: {  	s18 =	spop (v2sf)  }
0x167: {  	p0 =	seq.s32 s18, $0x80000000  }
.Ltmp4:
0x168: {  	_ = 	snop;
	(pc) =	sbr.rel @p0 .LBB2_7-.Ltmp4, $1  }
0x169: {  	_ =	sdelay $0x3  }
0x16a: {  	v6 =	vand.u32 $0xFFFF, v6  }
0x16b: {  	v7 =	vand.u32 $0xFFFF, v7;
	(xrf0) =	vadd.scan.msk.s32 $0xffff, v6  }
0x16c: {  	v6 =	vnsel vm1, $0x0, v6;
	(xrf0) =	vadd.scan.msk.s32 $0xffff, v7  }
0x16d: {  	(xrf0) =	vadd.scan.msk.s32 $0xffff, v6;
	v6 =	vnsel vm0, $0x0, v7  }
0x16e: {  	(xrf0) =	vadd.scan.msk.s32 $0xffff, v6;
	_ =	sdelay $0x2  }
0x16f: {  	v6, _, _ =	vpop (xrf0)  }
0x170: {  	v7, _, _ =	vpop (xrf0);
	(v2sf) =	vpush v6, $0xF  }
0x171: {  	v6, _, _ =	vpop (xrf0);
	(v2sf) =	vpush v7, $0xF  }
0x172: {  	(v2sf) =	vpush v6, $0xF;
	v6, _, _ =	vpop (xrf0)  }
0x173: {  	(v2sf) =	vpush v6, $0xF;
	_ =	sdelay $0x2  }
0x174: {  	s18 =	simm.s32 $0x0  }
0x175: {  	v7 =	vld [tilespmem:s18+$0x4000];
	_ =	sdelay $0x4  }
0x176: {  	v8 =	vsub.s32 $0x1, v7  }
0x177: {  	(xrf0) =	vadd.scan.msk.s32 $0xffff, v8;
	_ =	sdelay $0x1  }
0x178: {  	s29 =	spop (v2sf)  }
0x179: {  	s19 =	spop (v2sf)  }
0x17a: {  	s20 =	spop (v2sf)  }
0x17b: {  	s18 =	sadd.s32 s5, s29;
	s21 =	spop (v2sf)  }
0x17c: {  	v6, _, _ =	vpop (xrf0);
	s18 =	sadd.s32 s19, s18;
	s20 =	sadd.s32 s20, s21  }
0x17d: {  	v9 =	vimm.s32 $0x0;
	v6 =	vsub.s32 v6, v8;
	s18 =	ssub.s32 s18, s20  }
0x17e: {  	v10 =	vadd.s32 v9, v6;
	s30 =	sadd.s32 $0x0, s18  }
0x17f: {  	vm2 =	vgt.s32 v8, $0x0;
	v6 =	vmov s20;
	v8 =	vsub.s32 s30, v10  }
0x180: {  	vm3 =	vgt.s32 v7, $0x0;
	v7 =	vadd.s32 v0, v8;
	v8 =	vadd.s32 v6, v10  }
0x181: {  	v8 =	vsel vm3, v7, v8  }
0x182: {  	v10 =	vmpcnt.ones.xlane vm2;
	vm2 =	vgt.s32 v8, $0x0  }
0x183: {  	s20 =	simm.s32 $0x0;
	v8 =	vnsel vm2, $0x0, v8  }
0x184: {  	s31 =	sand.u32 $0x200, s20  }
0x185: {  	s22 =	sand.u32 $0x70, s20;
	s23 =	sshrl.u32 s31, $0x2;
	v7 =	vadd.s32 v9, v10  }
0x186: {  	s19 =	simm.s32 $0x40;
	s21 =	simm.s32 $0x80;
	s22 =	sor.u32 s22, s23;
	v9 =	vmin.u32 v8, $0x1FFF;
	v8 =	vmov v7  }
.LBB2_9:
0x187: {  	s23 =	sshra.s32 s19, $0x2  }
0x188: {  	[tilespmem:s22+$0x4100] =	vst v9;
	s20 =	sadd.s32 $0x10, s20;
	s22 =	smov.u32 s21;
	s24 =	sadd.s32 $0x40, s21  }
0x189: {  	p0 =	sne.s32 s21, $0x3C0;
	v9 =	vld [tilespmem:s23+$0x4000];
	_ =	sdelay $0x4  }
0x18a: {  	v10 =	vsub.s32 $0x1, v9  }
0x18b: {  	vm2 =	vgt.s32 v10, $0x0;
	(xrf0) =	vadd.scan.msk.s32 $0xffff, v10  }
0x18c: {  	v11 =	vmpcnt.ones.xlane vm2;
	_ =	sdelay $0x1  }
0x18d: {  	v7 =	vadd.s32 v7, v11;
	_ =	sdelay $0x2  }
0x18e: {  	v11, _, _ =	vpop (xrf0)  }
0x18f: {  	v10 =	vsub.s32 v11, v10  }
0x190: {  	s21 =	sadd.s32 s18, s20;
	v10 =	vadd.s32 v8, v10;
	v8 =	vmov v7  }
0x191: {  	v11 =	vsub.s32 s21, v10  }
.Ltmp5:
0x192: {  	vm2 =	vgt.s32 v9, $0x0;
	v10 =	vadd.s32 v6, v10;
	v9 =	vadd.s32 v0, v11;
	(pc) =	sbr.rel @p0 .LBB2_9-.Ltmp5, $4  }
0x193: {  	v9 =	vsel vm2, v9, v10  }
0x194: {  	s21 =	sand.u32 $0x200, s19;
	s19 =	smov.u32 s22;
	vm2 =	vgt.s32 v9, $0x0  }
0x195: {  	s22 =	sand.u32 $0x70, s20;
	s21 =	sshrl.u32 s21, $0x2;
	v9 =	vnsel vm2, $0x0, v9  }
0x196: {  	s22 =	sor.u32 s22, s21;
	s21 =	smov.u32 s24;
	v9 =	vmin.u32 v9, $0x1FFF  }
0x197: {  	s21 =	sshra.s32 s19, $0x2;
	[tilespmem:s22+$0x4100] =	vst v9  }
0x198: {  	v7 =	vld [tilespmem:s21+$0x4000];
	_ =	sdelay $0x4  }
0x199: {  	v63 =	vsub.s32 $0x1, v7  }
0x19a: {  	(xrf0) =	vadd.scan.msk.s32 $0xffff, v63;
	_ =	sdelay $0x5  }
0x19b: {  	v10, _, _ =	vpop (xrf0)  }
0x19c: {  	s20 =	sadd.s32 $0x10, s20;
	v9 =	vsub.s32 v10, v63  }
0x19d: {  	s18 =	sadd.s32 s18, s20;
	v8 =	vadd.s32 v8, v9  }
0x19e: {  	v9 =	vsub.s32 s18, v8  }
0x19f: {  	vm2 =	vgt.s32 v7, $0x0;
	v6 =	vadd.s32 v6, v8;
	v7 =	vadd.s32 v0, v9  }
0x1a0: {  	v6 =	vsel vm2, v7, v6  }
0x1a1: {  	s30 =	sand.u32 $0x200, s19;
	vm2 =	vgt.s32 v6, $0x0  }
0x1a2: {  	s31 =	sand.u32 $0x70, s20;
	s18 =	sshrl.u32 s30, $0x2;
	v6 =	vnsel vm2, $0x0, v6  }
0x1a3: {  	s18 =	sor.u32 s31, s18;
	v6 =	vmin.u32 v6, $0x1FFF  }
0x1a4: {  	[tilespmem:s18+$0x4100] =	vst v6  }
0x1a5: {  	[hbm4b:s3+s12] =	stream.indirect.scatter [tilespmem:s2], [sflag:$0x1], $0x40, s13, s12, $0xb8;
	[tilespmem:$0x4410] =	vst v63  }
0x1a6: {  	s17 =	sadd.s32 $0x1, s17  }
0x1a7: {  	[hbm4b:s3+s12] =	stream.indirect.scatter [tilespmem:s15], [sflag:$0x1], $0x40, s14, s12, $0xb8;
	[tilespmem:$0x4410] =	vst v63  }
0x1a8: {  	p0 =	sne.s32 s17, s8;
	_ =	swait.ge [sflag:s16], $0x2000  }
.Ltmp6:
0x1a9: {  	[sflag:s16] =	ssyncset.done $0x0;
	(pc) =	sbr.rel @p0 .LBB2_1-.Ltmp6, $4  }
0x1aa: {  	[sflag:s16] =	ssyncadd.s32 $0xFFFFE000  }
0x1ab: {  	_ =	swait.ge [sflag:s16], $0x2000  }
0x1ac: {  	[sflag:s16] =	ssyncset.done $0x0  }
0x1ad: {  	[sflag:s16] =	ssyncadd.s32 $0xFFFFE000  }
0x1ae: {  	_ =	sfence.sel $0x180000  }
0x1af: {  	[bflag:$0x0] =	sbarrier.arrive $0xFFFF  }
0x1b0: {  	p0 =	sne.s32 s1, $0x0;
	_ =	strace $0x90000047  }
0x1b1: {  	s0 =	sadd.s32 @!p0 $0x100000, s0;
	[bflag:$0x2] =	sbarrier.arrive $0xFFFF  }
0x1b2: {  	[sflag:s0] =	ssyncadd.tile.s32 @!p0 $0x1;
	_ =	shalt  }
.Lfunc_end2:
_tile_overlayer_lowered:
.L_overlay_start_2:
0x1b3: {  	(tag) =	ssettag $0x2  }
0x1b4: {  	s0 =	rddreg [dreg:$0x0];
	s2 =	stileid.u32  }
0x1b5: {  	s1 =	rddreg [dreg:$0x1];
	p0 =	sne.s32 s2, $0x0  }
0x1b6: {  	s3 =	rddreg [dreg:$0x2];
	[bflag:$0x3] =	sbarrier.arrive $0xFFFF;
	s2 =	simm.s32 @!p0 $0x1C02  }
0x1b7: {  	[timem:s3], [sflag:s2] =	dma.local @!p0 [hbm:s0], s1  }
0x1b8: {  	s0 =	simm.s32 @!p0 $0x2  }
0x1b9: {  	_ =	swait.ge @!p0 [sflag:s0], s1  }
0x1ba: {  	s1 =	ssub.s32 @!p0 $0x0, s1;
	[sflag:s0] =	ssyncset.done @!p0 $0x0  }
0x1bb: {  	[sflag:s0] =	ssyncadd.s32 @!p0 s1  }
0x1bc: {  	[bflag:$0x3] =	sbarrier.arrive $0xFFFF  }
0x1bd: {  	_ =	shalt  }

</sc_bundles>
